<compile_context>
chip_gen: v7x
topology: tpu7x:2x2x1
jax: 0.10.2.dev20260603
libtpu: 0.0.44.dev20260713+nightly
codegen_flags: <defaults>
</compile_context>

<pallas_src>
import functools

import jax
import jax.numpy as jnp
from jax import lax
from jax.experimental import pallas as pl
from jax.experimental.pallas import tpu as pltpu
from jax.experimental.pallas import tpu_sc as plsc

NC = 2
NS = 16
L = 16
NW = NC * NS

N = 10000
E = 10000
D = 128
R_PAD = 10240
TRASH = 10000
CHUNK = 128
K = 80
NNZ_PAD = NW * K * CHUNK
RPT = R_PAD // NS


def _mesh():
  return plsc.VectorSubcoreMesh(
      core_axis_name="c", subcore_axis_name="s", num_cores=NC, num_subcores=NS
  )


def _scatter_body(with_counts, *refs):
  if with_counts:
    (src_hbm, idx_hbm, out_sums, out_cnt,
     idx_v, rows2_v, cnt_v,
     acc_sh, sem_g0, sem_g1) = refs
  else:
    (src_hbm, idx_hbm, out_sums,
     idx_v, rows2_v,
     acc_sh, sem_g0, sem_g1) = refs
    cnt_v = None
  rows_v = rows2_v.at[0]

  c = lax.axis_index("c")
  s = lax.axis_index("s")
  wid = c * NS + s
  base = s * RPT

  zv = jnp.zeros((L,), jnp.float32)

  def zero_row(i, carry):
    for j in range(D // L):
      rows_v[i, pl.ds(j * L, L)] = zv
    return carry

  lax.fori_loop(0, CHUNK, zero_row, 0)

  if with_counts:
    def zero_cnt(i, carry):
      cnt_v[pl.ds(i * L, L)] = zv
      return carry

    lax.fori_loop(0, R_PAD // L, zero_cnt, 0)

  for k in range(RPT // CHUNK):
    pltpu.sync_copy(rows_v, acc_sh.at[pl.ds(base + k * CHUNK, CHUNK)])

  pltpu.sync_copy(idx_hbm.at[wid, 0], idx_v.at[0])

  plsc.subcore_barrier()

  ones = jnp.ones((L,), jnp.float32)

  pltpu.async_copy(src_hbm.at[idx_v.at[0, 0, 0]], rows2_v.at[0], sem_g0)
  pltpu.async_copy(src_hbm.at[idx_v.at[0, 1, 0]], rows2_v.at[1], sem_g1)

  def do_counts(blk, row):
    for t in range(CHUNK // L):
      idx = idx_v[blk, row, 1, pl.ds(t * L, L)]
      plsc.addupdate_scatter(cnt_v, [idx], ones)

  def half(j, buf, sem):
    blk = jnp.bitwise_and(lax.shift_right_logical(j, 3), 1)
    row = jnp.bitwise_and(j, 7)
    pltpu.make_async_copy(src_hbm.at[idx_v.at[blk, row, 0]], buf, sem).wait()
    pltpu.sync_copy(buf, acc_sh.at[idx_v.at[blk, row, 1]], add=True)

    @pl.when(j + 2 < K)
    def _():
      blk2 = jnp.bitwise_and(lax.shift_right_logical(j + 2, 3), 1)
      row2 = jnp.bitwise_and(j + 2, 7)
      pltpu.async_copy(src_hbm.at[idx_v.at[blk2, row2, 0]], buf, sem)

    if with_counts:
      do_counts(blk, row)

  def pair(i, carry):
    j = 2 * i

    @pl.when(jnp.logical_and(jnp.bitwise_and(j, 7) == 6, j + 2 < K))
    def _():
      nxt = lax.shift_right_logical(j + 2, 3)
      pltpu.sync_copy(idx_hbm.at[wid, nxt],
                      idx_v.at[jnp.bitwise_and(nxt, 1)])

    half(j, rows2_v.at[0], sem_g0)
    half(j + 1, rows2_v.at[1], sem_g1)
    return carry

  lax.fori_loop(0, K // 2, pair, 0)

  if with_counts:
    pltpu.sync_copy(cnt_v, out_cnt.at[pl.ds(wid * R_PAD, R_PAD)])

  plsc.subcore_barrier()

  pltpu.sync_copy(acc_sh.at[pl.ds(base, RPT)], out_sums.at[c, pl.ds(base, RPT)])


def _make_scatter(with_counts):
  outs = [jax.ShapeDtypeStruct((NC, R_PAD, D), jnp.float32)]
  scratch = [
      pltpu.VMEM((2, 8, 2, CHUNK), jnp.int32),
      pltpu.VMEM((2, CHUNK, D), jnp.float32),
  ]
  if with_counts:
    outs.append(jax.ShapeDtypeStruct((NW * R_PAD,), jnp.float32))
    scratch.append(pltpu.VMEM((R_PAD,), jnp.float32))
  scratch.append(pltpu.VMEM_SHARED((R_PAD, D), jnp.float32))
  scratch += [pltpu.SemaphoreType.DMA] * 2
  return pl.kernel(
      functools.partial(_scatter_body, with_counts),
      out_type=tuple(outs) if with_counts else outs[0],
      mesh=_mesh(),
      scratch_types=scratch,
      compiler_params=pltpu.CompilerParams(needs_layout_passes=False),
  )


def _tc_norm_body(s0_ref, s1_ref, cnt_ref, o_ref):
  c = jnp.sum(cnt_ref[...], axis=0)
  scale = 1.0 / jnp.maximum(c, 1.0)
  o_ref[...] = (s0_ref[...] + s1_ref[...]) * scale[:, None]


def _tc_norm(s0, s1, cnt2):
  BR = 2048
  return pl.pallas_call(
      _tc_norm_body,
      grid=(R_PAD // BR,),
      in_specs=[
          pl.BlockSpec((BR, D), lambda i: (i, 0)),
          pl.BlockSpec((BR, D), lambda i: (i, 0)),
          pl.BlockSpec((NW, BR), lambda i: (0, i)),
      ],
      out_specs=pl.BlockSpec((BR, D), lambda i: (i, 0)),
      out_shape=jax.ShapeDtypeStruct((R_PAD, D), jnp.float32),
  )(s0, s1, cnt2)


def _mm_body(eps_ref, x_ref, v0_ref, v1_ref, w_ref, o_ref):
  scale = 1.0 + eps_ref[0]
  acc = scale * x_ref[...] + v0_ref[...] + v1_ref[...]
  o_ref[...] = lax.dot_general(
      acc, w_ref[...], (((1,), (1,)), ((), ())),
      preferred_element_type=jnp.float32,
  )


def _matmul(eps, Xp, v0, v1, W):
  M = Xp.shape[0]
  BM = 2048
  return pl.pallas_call(
      _mm_body,
      grid=(M // BM,),
      in_specs=[
          pl.BlockSpec(memory_space=pltpu.SMEM),
          pl.BlockSpec((BM, D), lambda i: (i, 0)),
          pl.BlockSpec((BM, D), lambda i: (i, 0)),
          pl.BlockSpec((BM, D), lambda i: (i, 0)),
          pl.BlockSpec((D, D), lambda i: (0, 0)),
      ],
      out_specs=pl.BlockSpec((BM, D), lambda i: (i, 0)),
      out_shape=jax.ShapeDtypeStruct((M, D), jnp.float32),
  )(eps, Xp, v0, v1, W)


def kernel(X, vertex, edges, W, eps):
  Xp = jnp.pad(X, ((0, R_PAD - N), (0, 0)))
  npad = NNZ_PAD - vertex.shape[0]
  fill = TRASH + (jnp.arange(npad, dtype=jnp.int32) % (R_PAD - N))
  v3 = jnp.concatenate([vertex.astype(jnp.int32), fill]).reshape(NW, K, CHUNK)
  e3 = jnp.concatenate([edges.astype(jnp.int32), fill]).reshape(NW, K, CHUNK)

  idx_ve = jnp.stack([v3, e3], axis=2).reshape(NW, K // 8, 8, 2, CHUNK)
  idx_ev = jnp.stack([e3, v3], axis=2).reshape(NW, K // 8, 8, 2, CHUNK)
  sums, cnts = _make_scatter(True)(Xp, idx_ve)
  Xe = _tc_norm(sums[0], sums[1], cnts.reshape(NW, R_PAD))
  xv = _make_scatter(False)(Xe, idx_ev)
  out = _matmul(eps, Xp, xv[0], xv[1], W)
  return out[:N]

# --- scband reference (transcript-rebuilt; emitter-appended) ---
"""Pipeline reference for scband-uni-ginconv-81020263071814 (READ-ONLY COPY).

The authoritative reference and input builder live on the scoring server;
editing this copy changes nothing except your own understanding.
"""

import jax, jax.numpy as jnp
import numpy as np

N_NODES = 10000
NUM_HYPEREDGES = 10000
NNZ = 320000
D_IN = 128
HEADS = 1
D_OUT = 128

def setup_inputs(seed: int = 0) -> dict:
    key = jax.random.key(seed)
    k1, k2, k3, k4 = jax.random.split(key, 4)
    X = jax.random.normal(k1, (N_NODES, D_IN), dtype=jnp.float32)
    vertex = jax.random.randint(k2, (NNZ,), 0, N_NODES, dtype=jnp.int64 if jax.config.jax_enable_x64 else jnp.int32)
    edges = jax.random.randint(k3, (NNZ,), 0, NUM_HYPEREDGES, dtype=jnp.int64 if jax.config.jax_enable_x64 else jnp.int32)
    # Linear(in_channels, heads*out_channels, bias=False): weight shape [heads*out_channels, in_channels]
    W = jax.random.normal(k4, (HEADS * D_OUT, D_IN), dtype=jnp.float32) * (1.0 / np.sqrt(D_IN))
    eps = jnp.array([0.1], dtype=jnp.float32)
    return {"X": X, "vertex": vertex, "edges": edges, "W": W, "eps": eps}

def reference(X, vertex, edges, W, eps):
    N = X.shape[0]
    # Xve = X[vertex]  (gather node features to incidence list)
    Xve = jnp.take(X, vertex, axis=0)
    # Xe = scatter(Xve, edges, reduce='mean') over hyperedges
    sums = jax.ops.segment_sum(Xve, edges, num_segments=NUM_HYPEREDGES)
    counts = jax.ops.segment_sum(jnp.ones((Xve.shape[0],), dtype=Xve.dtype), edges, num_segments=NUM_HYPEREDGES)
    Xe = sums / jnp.clip(counts, 1.0, None)[:, None]
    # Xev = Xe[edges]  (gather hyperedge features back to incidences)
    Xev = jnp.take(Xe, edges, axis=0)
    # Xv = scatter(Xev, vertex, reduce='sum', dim_size=N)
    Xv = jax.ops.segment_sum(Xev, vertex, num_segments=N)
    Xout = (1.0 + eps) * X + Xv
    Xout = Xout @ W.T
    return Xout

if __name__ == "__main__":
    import jax
    _d = setup_inputs()
    print(jax.jit(kernel)(*tuple(_d.values())))

</pallas_src>

<mosaic_0001>
#map = affine_map<(d0, d1) -> (0, 0)>
#map1 = affine_map<(d0, d1) -> (0, 0, 0, 0, 0)>
#map2 = affine_map<(d0, d1) -> (0, 0, 0)>
#map3 = affine_map<(d0, d1) -> (0)>
module attributes {stable_mosaic.version = 14 : i64} {
  func.func @_scatter_body(%arg0: i32, %arg1: i32, %arg2: memref<10240x128xf32, #tpu.memory_space<hbm>>, %arg3: memref<32x10x8x2x128xi32, #tpu.memory_space<hbm>>, %arg4: memref<2x10240x128xf32, #tpu.memory_space<hbm>>, %arg5: memref<327680xf32, #tpu.memory_space<hbm>>, %arg6: memref<2x8x2x128xi32, #tpu.memory_space<vmem>>, %arg7: memref<2x128x128xf32, #tpu.memory_space<vmem>>, %arg8: memref<10240xf32, #tpu.memory_space<vmem>>, %arg9: memref<10240x128xf32, #tpu.memory_space<vmem_shared>>, %arg10: memref<!tpu.dma_semaphore, #tpu.memory_space<semaphore_mem>>, %arg11: memref<!tpu.dma_semaphore, #tpu.memory_space<semaphore_mem>>) attributes {dimension_semantics = [#tpu.dimension_semantics<core_parallel>, #tpu.dimension_semantics<subcore_parallel>], iteration_bounds = array<i64: 2, 16>, scalar_prefetch = 0 : i64, scratch_operands = 6 : i64, tpu.core_type = #tpu.core_type<sc_vector_subcore>, window_params = [{transform_indices = #map}, {transform_indices = #map1}, {transform_indices = #map2}, {transform_indices = #map3}]} {
    %mul3A = arith.constant 16 : i32
    %mul3A_0 = arith.muli %arg0, %mul3A : i32
    %add3A = arith.addi %mul3A_0, %arg1 : i32
    %mul3A_1 = arith.constant 640 : i32
    %mul3A_2 = arith.muli %arg1, %mul3A_1 : i32
    %broadcast_in_dim3A = arith.constant 0.000000e+00 : f32
    %broadcast_in_dim3A_3 = vector.broadcast %broadcast_in_dim3A : f32 to vector<16xf32>
    %scan3A = arith.constant 0 : i32
    %scan3A_4 = arith.constant 0 : i32
    %scan3A_5 = arith.constant 0 : i32
    %scan3A_6 = arith.constant 128 : i32
    %scan3A_7 = arith.addi %scan3A_5, %scan3A_6 : i32
    %scan3A_8 = arith.constant 1 : i32
    scf.for %scan3A_70 = %scan3A_5 to %scan3A_7 step %scan3A_8  : i32 {
      %swap3A = arith.constant 0 : i32
      %swap3A_71 = arith.constant 0 : i32
      %swap3A_72 = tpu.memref_slice %arg7[%scan3A_4, %swap3A, %swap3A_71] : memref<2x128x128xf32, #tpu.memory_space<vmem>> -> memref<1x128x128xf32, #tpu.memory_space<vmem>>
      %swap3A_73 = tpu.memref_squeeze %swap3A_72 : memref<1x128x128xf32, #tpu.memory_space<vmem>> -> memref<128x128xf32, #tpu.memory_space<vmem>>
      %swap3A_74 = arith.index_cast %scan3A_70 : i32 to index
      %swap3A_75 = arith.constant 0 : index
      %swap3A_76 = tpu.vector_load %swap3A_73[%swap3A_74, %swap3A_75] {strides = array<i32>} : memref<128x128xf32, #tpu.memory_space<vmem>>, vector<16xf32>,
      tpu.vector_store %swap3A_73[%swap3A_74, %swap3A_75], %broadcast_in_dim3A_3 {strides = array<i32>} : memref<128x128xf32, #tpu.memory_space<vmem>>, vector<16xf32>,
      %swap3A_77 = arith.constant 0 : i32
      %swap3A_78 = arith.constant 0 : i32
      %swap3A_79 = tpu.memref_slice %arg7[%scan3A_4, %swap3A_77, %swap3A_78] : memref<2x128x128xf32, #tpu.memory_space<vmem>> -> memref<1x128x128xf32, #tpu.memory_space<vmem>>
      %swap3A_80 = tpu.memref_squeeze %swap3A_79 : memref<1x128x128xf32, #tpu.memory_space<vmem>> -> memref<128x128xf32, #tpu.memory_space<vmem>>
      %swap3A_81 = arith.index_cast %scan3A_70 : i32 to index
      %swap3A_82 = arith.constant 16 : index
      %swap3A_83 = tpu.vector_load %swap3A_80[%swap3A_81, %swap3A_82] {strides = array<i32>} : memref<128x128xf32, #tpu.memory_space<vmem>>, vector<16xf32>,
      tpu.vector_store %swap3A_80[%swap3A_81, %swap3A_82], %broadcast_in_dim3A_3 {strides = array<i32>} : memref<128x128xf32, #tpu.memory_space<vmem>>, vector<16xf32>,
      %swap3A_84 = arith.constant 0 : i32
      %swap3A_85 = arith.constant 0 : i32
      %swap3A_86 = tpu.memref_slice %arg7[%scan3A_4, %swap3A_84, %swap3A_85] : memref<2x128x128xf32, #tpu.memory_space<vmem>> -> memref<1x128x128xf32, #tpu.memory_space<vmem>>
      %swap3A_87 = tpu.memref_squeeze %swap3A_86 : memref<1x128x128xf32, #tpu.memory_space<vmem>> -> memref<128x128xf32, #tpu.memory_space<vmem>>
      %swap3A_88 = arith.index_cast %scan3A_70 : i32 to index
      %swap3A_89 = arith.constant 32 : index
      %swap3A_90 = tpu.vector_load %swap3A_87[%swap3A_88, %swap3A_89] {strides = array<i32>} : memref<128x128xf32, #tpu.memory_space<vmem>>, vector<16xf32>,
      tpu.vector_store %swap3A_87[%swap3A_88, %swap3A_89], %broadcast_in_dim3A_3 {strides = array<i32>} : memref<128x128xf32, #tpu.memory_space<vmem>>, vector<16xf32>,
      %swap3A_91 = arith.constant 0 : i32
      %swap3A_92 = arith.constant 0 : i32
      %swap3A_93 = tpu.memref_slice %arg7[%scan3A_4, %swap3A_91, %swap3A_92] : memref<2x128x128xf32, #tpu.memory_space<vmem>> -> memref<1x128x128xf32, #tpu.memory_space<vmem>>
      %swap3A_94 = tpu.memref_squeeze %swap3A_93 : memref<1x128x128xf32, #tpu.memory_space<vmem>> -> memref<128x128xf32, #tpu.memory_space<vmem>>
      %swap3A_95 = arith.index_cast %scan3A_70 : i32 to index
      %swap3A_96 = arith.constant 48 : index
      %swap3A_97 = tpu.vector_load %swap3A_94[%swap3A_95, %swap3A_96] {strides = array<i32>} : memref<128x128xf32, #tpu.memory_space<vmem>>, vector<16xf32>,
      tpu.vector_store %swap3A_94[%swap3A_95, %swap3A_96], %broadcast_in_dim3A_3 {strides = array<i32>} : memref<128x128xf32, #tpu.memory_space<vmem>>, vector<16xf32>,
      %swap3A_98 = arith.constant 0 : i32
      %swap3A_99 = arith.constant 0 : i32
      %swap3A_100 = tpu.memref_slice %arg7[%scan3A_4, %swap3A_98, %swap3A_99] : memref<2x128x128xf32, #tpu.memory_space<vmem>> -> memref<1x128x128xf32, #tpu.memory_space<vmem>>
      %swap3A_101 = tpu.memref_squeeze %swap3A_100 : memref<1x128x128xf32, #tpu.memory_space<vmem>> -> memref<128x128xf32, #tpu.memory_space<vmem>>
      %swap3A_102 = arith.index_cast %scan3A_70 : i32 to index
      %swap3A_103 = arith.constant 64 : index
      %swap3A_104 = tpu.vector_load %swap3A_101[%swap3A_102, %swap3A_103] {strides = array<i32>} : memref<128x128xf32, #tpu.memory_space<vmem>>, vector<16xf32>,
      tpu.vector_store %swap3A_101[%swap3A_102, %swap3A_103], %broadcast_in_dim3A_3 {strides = array<i32>} : memref<128x128xf32, #tpu.memory_space<vmem>>, vector<16xf32>,
      %swap3A_105 = arith.constant 0 : i32
      %swap3A_106 = arith.constant 0 : i32
      %swap3A_107 = tpu.memref_slice %arg7[%scan3A_4, %swap3A_105, %swap3A_106] : memref<2x128x128xf32, #tpu.memory_space<vmem>> -> memref<1x128x128xf32, #tpu.memory_space<vmem>>
      %swap3A_108 = tpu.memref_squeeze %swap3A_107 : memref<1x128x128xf32, #tpu.memory_space<vmem>> -> memref<128x128xf32, #tpu.memory_space<vmem>>
      %swap3A_109 = arith.index_cast %scan3A_70 : i32 to index
      %swap3A_110 = arith.constant 80 : index
      %swap3A_111 = tpu.vector_load %swap3A_108[%swap3A_109, %swap3A_110] {strides = array<i32>} : memref<128x128xf32, #tpu.memory_space<vmem>>, vector<16xf32>,
      tpu.vector_store %swap3A_108[%swap3A_109, %swap3A_110], %broadcast_in_dim3A_3 {strides = array<i32>} : memref<128x128xf32, #tpu.memory_space<vmem>>, vector<16xf32>,
      %swap3A_112 = arith.constant 0 : i32
      %swap3A_113 = arith.constant 0 : i32
      %swap3A_114 = tpu.memref_slice %arg7[%scan3A_4, %swap3A_112, %swap3A_113] : memref<2x128x128xf32, #tpu.memory_space<vmem>> -> memref<1x128x128xf32, #tpu.memory_space<vmem>>
      %swap3A_115 = tpu.memref_squeeze %swap3A_114 : memref<1x128x128xf32, #tpu.memory_space<vmem>> -> memref<128x128xf32, #tpu.memory_space<vmem>>
      %swap3A_116 = arith.index_cast %scan3A_70 : i32 to index
      %swap3A_117 = arith.constant 96 : index
      %swap3A_118 = tpu.vector_load %swap3A_115[%swap3A_116, %swap3A_117] {strides = array<i32>} : memref<128x128xf32, #tpu.memory_space<vmem>>, vector<16xf32>,
      tpu.vector_store %swap3A_115[%swap3A_116, %swap3A_117], %broadcast_in_dim3A_3 {strides = array<i32>} : memref<128x128xf32, #tpu.memory_space<vmem>>, vector<16xf32>,
      %swap3A_119 = arith.constant 0 : i32
      %swap3A_120 = arith.constant 0 : i32
      %swap3A_121 = tpu.memref_slice %arg7[%scan3A_4, %swap3A_119, %swap3A_120] : memref<2x128x128xf32, #tpu.memory_space<vmem>> -> memref<1x128x128xf32, #tpu.memory_space<vmem>>
      %swap3A_122 = tpu.memref_squeeze %swap3A_121 : memref<1x128x128xf32, #tpu.memory_space<vmem>> -> memref<128x128xf32, #tpu.memory_space<vmem>>
      %swap3A_123 = arith.index_cast %scan3A_70 : i32 to index
      %swap3A_124 = arith.constant 112 : index
      %swap3A_125 = tpu.vector_load %swap3A_122[%swap3A_123, %swap3A_124] {strides = array<i32>} : memref<128x128xf32, #tpu.memory_space<vmem>>, vector<16xf32>,
      tpu.vector_store %swap3A_122[%swap3A_123, %swap3A_124], %broadcast_in_dim3A_3 {strides = array<i32>} : memref<128x128xf32, #tpu.memory_space<vmem>>, vector<16xf32>,
    }
    %scan3A_9 = arith.constant 128 : i32
    %scan3A_10 = arith.constant 0 : i32
    %scan3A_11 = arith.constant 0 : i32
    %scan3A_12 = arith.constant 640 : i32
    %scan3A_13 = arith.addi %scan3A_11, %scan3A_12 : i32
    %scan3A_14 = arith.constant 1 : i32
    scf.for %scan3A_70 = %scan3A_11 to %scan3A_13 step %scan3A_14  : i32 {
      %mul3A_71 = arith.constant 16 : i32
      %mul3A_72 = arith.muli %scan3A_70, %mul3A_71 : i32
      %swap3A = arith.index_cast %mul3A_72 : i32 to index
      %swap3A_73 = tpu.vector_load %arg8[%swap3A] {strides = array<i32>} : memref<10240xf32, #tpu.memory_space<vmem>>, vector<16xf32>,
      tpu.vector_store %arg8[%swap3A], %broadcast_in_dim3A_3 {strides = array<i32>} : memref<10240xf32, #tpu.memory_space<vmem>>, vector<16xf32>,
    }
    %scan3A_15 = arith.constant 640 : i32
    %add3A_16 = arith.constant 0 : i32
    %add3A_17 = arith.addi %mul3A_2, %add3A_16 : i32
    %run_scoped3A = arith.constant 0 : i32
    "tpu.region"() ({
      %run_scoped3A_70 = tpu.sem_alloc : memref<!tpu.dma_semaphore, #tpu.memory_space<semaphore_mem>>
      %dma_start3A_71 = arith.constant 0 : i32
      %dma_start3A_72 = arith.constant 0 : i32
      %dma_start3A_73 = tpu.memref_slice %arg7[%run_scoped3A, %dma_start3A_71, %dma_start3A_72] : memref<2x128x128xf32, #tpu.memory_space<vmem>> -> memref<1x128x128xf32, #tpu.memory_space<vmem>>
      %dma_start3A_74 = tpu.memref_squeeze %dma_start3A_73 : memref<1x128x128xf32, #tpu.memory_space<vmem>> -> memref<128x128xf32, #tpu.memory_space<vmem>>
      %dma_start3A_75 = arith.constant 0 : i32
      %dma_start3A_76 = tpu.memref_slice %arg9[%add3A_17, %dma_start3A_75] : memref<10240x128xf32, #tpu.memory_space<vmem_shared>> -> memref<128x128xf32, #tpu.memory_space<vmem_shared>>
      %dma_start3A_77 = arith.constant 0 : i32
      %dma_start3A_78 = tpu.memref_slice %arg9[%add3A_17, %dma_start3A_77] : memref<10240x128xf32, #tpu.memory_space<vmem_shared>> -> memref<128x128xf32, #tpu.memory_space<vmem_shared>>
      %dma_start3A_79 = arith.constant 0 : i32
      %dma_start3A_80 = arith.constant 0 : i32
      %dma_start3A_81 = tpu.memref_slice %arg7[%run_scoped3A, %dma_start3A_79, %dma_start3A_80] : memref<2x128x128xf32, #tpu.memory_space<vmem>> -> memref<1x128x128xf32, #tpu.memory_space<vmem>>
      %dma_start3A_82 = tpu.memref_squeeze %dma_start3A_81 : memref<1x128x128xf32, #tpu.memory_space<vmem>> -> memref<128x128xf32, #tpu.memory_space<vmem>>
      tpu.enqueue_dma source(%dma_start3A_82 : memref<128x128xf32, #tpu.memory_space<vmem>>) target(%dma_start3A_78 : memref<128x128xf32, #tpu.memory_space<vmem_shared>>) target_semaphore(%run_scoped3A_70 : memref<!tpu.dma_semaphore, #tpu.memory_space<semaphore_mem>>)
      %dma_wait3A = arith.constant 0 : i32
      %dma_wait3A_83 = arith.constant 0 : i32
      %dma_wait3A_84 = tpu.memref_slice %arg7[%run_scoped3A, %dma_wait3A, %dma_wait3A_83] : memref<2x128x128xf32, #tpu.memory_space<vmem>> -> memref<1x128x128xf32, #tpu.memory_space<vmem>>
      %dma_wait3A_85 = tpu.memref_squeeze %dma_wait3A_84 : memref<1x128x128xf32, #tpu.memory_space<vmem>> -> memref<128x128xf32, #tpu.memory_space<vmem>>
      %dma_wait3A_86 = arith.constant 0 : i32
      %dma_wait3A_87 = tpu.memref_slice %arg9[%add3A_17, %dma_wait3A_86] : memref<10240x128xf32, #tpu.memory_space<vmem_shared>> -> memref<128x128xf32, #tpu.memory_space<vmem_shared>>
      %dma_wait3A_88 = arith.constant 0 : i32
      %dma_wait3A_89 = tpu.memref_slice %arg9[%add3A_17, %dma_wait3A_88] : memref<10240x128xf32, #tpu.memory_space<vmem_shared>> -> memref<128x128xf32, #tpu.memory_space<vmem_shared>>
      %dma_wait3A_90 = arith.constant 0 : i32
      %dma_wait3A_91 = arith.constant 0 : i32
      %dma_wait3A_92 = tpu.memref_slice %arg7[%run_scoped3A, %dma_wait3A_90, %dma_wait3A_91] : memref<2x128x128xf32, #tpu.memory_space<vmem>> -> memref<1x128x128xf32, #tpu.memory_space<vmem>>
      %dma_wait3A_93 = tpu.memref_squeeze %dma_wait3A_92 : memref<1x128x128xf32, #tpu.memory_space<vmem>> -> memref<128x128xf32, #tpu.memory_space<vmem>>
      tpu.wait_dma2 semaphore(%run_scoped3A_70 : memref<!tpu.dma_semaphore, #tpu.memory_space<semaphore_mem>>) src(%dma_wait3A_93 : memref<128x128xf32, #tpu.memory_space<vmem>>) dst(%dma_wait3A_89 : memref<128x128xf32, #tpu.memory_space<vmem_shared>>)
      tpu.yield
    }) : () -> ()
    %add3A_18 = arith.constant 128 : i32
    %add3A_19 = arith.addi %mul3A_2, %add3A_18 : i32
    %run_scoped3A_20 = arith.constant 0 : i32
    "tpu.region"() ({
      %run_scoped3A_70 = tpu.sem_alloc : memref<!tpu.dma_semaphore, #tpu.memory_space<semaphore_mem>>
      %dma_start3A_71 = arith.constant 0 : i32
      %dma_start3A_72 = arith.constant 0 : i32
      %dma_start3A_73 = tpu.memref_slice %arg7[%run_scoped3A_20, %dma_start3A_71, %dma_start3A_72] : memref<2x128x128xf32, #tpu.memory_space<vmem>> -> memref<1x128x128xf32, #tpu.memory_space<vmem>>
      %dma_start3A_74 = tpu.memref_squeeze %dma_start3A_73 : memref<1x128x128xf32, #tpu.memory_space<vmem>> -> memref<128x128xf32, #tpu.memory_space<vmem>>
      %dma_start3A_75 = arith.constant 0 : i32
      %dma_start3A_76 = tpu.memref_slice %arg9[%add3A_19, %dma_start3A_75] : memref<10240x128xf32, #tpu.memory_space<vmem_shared>> -> memref<128x128xf32, #tpu.memory_space<vmem_shared>>
      %dma_start3A_77 = arith.constant 0 : i32
      %dma_start3A_78 = tpu.memref_slice %arg9[%add3A_19, %dma_start3A_77] : memref<10240x128xf32, #tpu.memory_space<vmem_shared>> -> memref<128x128xf32, #tpu.memory_space<vmem_shared>>
      %dma_start3A_79 = arith.constant 0 : i32
      %dma_start3A_80 = arith.constant 0 : i32
      %dma_start3A_81 = tpu.memref_slice %arg7[%run_scoped3A_20, %dma_start3A_79, %dma_start3A_80] : memref<2x128x128xf32, #tpu.memory_space<vmem>> -> memref<1x128x128xf32, #tpu.memory_space<vmem>>
      %dma_start3A_82 = tpu.memref_squeeze %dma_start3A_81 : memref<1x128x128xf32, #tpu.memory_space<vmem>> -> memref<128x128xf32, #tpu.memory_space<vmem>>
      tpu.enqueue_dma source(%dma_start3A_82 : memref<128x128xf32, #tpu.memory_space<vmem>>) target(%dma_start3A_78 : memref<128x128xf32, #tpu.memory_space<vmem_shared>>) target_semaphore(%run_scoped3A_70 : memref<!tpu.dma_semaphore, #tpu.memory_space<semaphore_mem>>)
      %dma_wait3A = arith.constant 0 : i32
      %dma_wait3A_83 = arith.constant 0 : i32
      %dma_wait3A_84 = tpu.memref_slice %arg7[%run_scoped3A_20, %dma_wait3A, %dma_wait3A_83] : memref<2x128x128xf32, #tpu.memory_space<vmem>> -> memref<1x128x128xf32, #tpu.memory_space<vmem>>
      %dma_wait3A_85 = tpu.memref_squeeze %dma_wait3A_84 : memref<1x128x128xf32, #tpu.memory_space<vmem>> -> memref<128x128xf32, #tpu.memory_space<vmem>>
      %dma_wait3A_86 = arith.constant 0 : i32
      %dma_wait3A_87 = tpu.memref_slice %arg9[%add3A_19, %dma_wait3A_86] : memref<10240x128xf32, #tpu.memory_space<vmem_shared>> -> memref<128x128xf32, #tpu.memory_space<vmem_shared>>
      %dma_wait3A_88 = arith.constant 0 : i32
      %dma_wait3A_89 = tpu.memref_slice %arg9[%add3A_19, %dma_wait3A_88] : memref<10240x128xf32, #tpu.memory_space<vmem_shared>> -> memref<128x128xf32, #tpu.memory_space<vmem_shared>>
      %dma_wait3A_90 = arith.constant 0 : i32
      %dma_wait3A_91 = arith.constant 0 : i32
      %dma_wait3A_92 = tpu.memref_slice %arg7[%run_scoped3A_20, %dma_wait3A_90, %dma_wait3A_91] : memref<2x128x128xf32, #tpu.memory_space<vmem>> -> memref<1x128x128xf32, #tpu.memory_space<vmem>>
      %dma_wait3A_93 = tpu.memref_squeeze %dma_wait3A_92 : memref<1x128x128xf32, #tpu.memory_space<vmem>> -> memref<128x128xf32, #tpu.memory_space<vmem>>
      tpu.wait_dma2 semaphore(%run_scoped3A_70 : memref<!tpu.dma_semaphore, #tpu.memory_space<semaphore_mem>>) src(%dma_wait3A_93 : memref<128x128xf32, #tpu.memory_space<vmem>>) dst(%dma_wait3A_89 : memref<128x128xf32, #tpu.memory_space<vmem_shared>>)
      tpu.yield
    }) : () -> ()
    %add3A_21 = arith.constant 256 : i32
    %add3A_22 = arith.addi %mul3A_2, %add3A_21 : i32
    %run_scoped3A_23 = arith.constant 0 : i32
    "tpu.region"() ({
      %run_scoped3A_70 = tpu.sem_alloc : memref<!tpu.dma_semaphore, #tpu.memory_space<semaphore_mem>>
      %dma_start3A_71 = arith.constant 0 : i32
      %dma_start3A_72 = arith.constant 0 : i32
      %dma_start3A_73 = tpu.memref_slice %arg7[%run_scoped3A_23, %dma_start3A_71, %dma_start3A_72] : memref<2x128x128xf32, #tpu.memory_space<vmem>> -> memref<1x128x128xf32, #tpu.memory_space<vmem>>
      %dma_start3A_74 = tpu.memref_squeeze %dma_start3A_73 : memref<1x128x128xf32, #tpu.memory_space<vmem>> -> memref<128x128xf32, #tpu.memory_space<vmem>>
      %dma_start3A_75 = arith.constant 0 : i32
      %dma_start3A_76 = tpu.memref_slice %arg9[%add3A_22, %dma_start3A_75] : memref<10240x128xf32, #tpu.memory_space<vmem_shared>> -> memref<128x128xf32, #tpu.memory_space<vmem_shared>>
      %dma_start3A_77 = arith.constant 0 : i32
      %dma_start3A_78 = tpu.memref_slice %arg9[%add3A_22, %dma_start3A_77] : memref<10240x128xf32, #tpu.memory_space<vmem_shared>> -> memref<128x128xf32, #tpu.memory_space<vmem_shared>>
      %dma_start3A_79 = arith.constant 0 : i32
      %dma_start3A_80 = arith.constant 0 : i32
      %dma_start3A_81 = tpu.memref_slice %arg7[%run_scoped3A_23, %dma_start3A_79, %dma_start3A_80] : memref<2x128x128xf32, #tpu.memory_space<vmem>> -> memref<1x128x128xf32, #tpu.memory_space<vmem>>
      %dma_start3A_82 = tpu.memref_squeeze %dma_start3A_81 : memref<1x128x128xf32, #tpu.memory_space<vmem>> -> memref<128x128xf32, #tpu.memory_space<vmem>>
      tpu.enqueue_dma source(%dma_start3A_82 : memref<128x128xf32, #tpu.memory_space<vmem>>) target(%dma_start3A_78 : memref<128x128xf32, #tpu.memory_space<vmem_shared>>) target_semaphore(%run_scoped3A_70 : memref<!tpu.dma_semaphore, #tpu.memory_space<semaphore_mem>>)
      %dma_wait3A = arith.constant 0 : i32
      %dma_wait3A_83 = arith.constant 0 : i32
      %dma_wait3A_84 = tpu.memref_slice %arg7[%run_scoped3A_23, %dma_wait3A, %dma_wait3A_83] : memref<2x128x128xf32, #tpu.memory_space<vmem>> -> memref<1x128x128xf32, #tpu.memory_space<vmem>>
      %dma_wait3A_85 = tpu.memref_squeeze %dma_wait3A_84 : memref<1x128x128xf32, #tpu.memory_space<vmem>> -> memref<128x128xf32, #tpu.memory_space<vmem>>
      %dma_wait3A_86 = arith.constant 0 : i32
      %dma_wait3A_87 = tpu.memref_slice %arg9[%add3A_22, %dma_wait3A_86] : memref<10240x128xf32, #tpu.memory_space<vmem_shared>> -> memref<128x128xf32, #tpu.memory_space<vmem_shared>>
      %dma_wait3A_88 = arith.constant 0 : i32
      %dma_wait3A_89 = tpu.memref_slice %arg9[%add3A_22, %dma_wait3A_88] : memref<10240x128xf32, #tpu.memory_space<vmem_shared>> -> memref<128x128xf32, #tpu.memory_space<vmem_shared>>
      %dma_wait3A_90 = arith.constant 0 : i32
      %dma_wait3A_91 = arith.constant 0 : i32
      %dma_wait3A_92 = tpu.memref_slice %arg7[%run_scoped3A_23, %dma_wait3A_90, %dma_wait3A_91] : memref<2x128x128xf32, #tpu.memory_space<vmem>> -> memref<1x128x128xf32, #tpu.memory_space<vmem>>
      %dma_wait3A_93 = tpu.memref_squeeze %dma_wait3A_92 : memref<1x128x128xf32, #tpu.memory_space<vmem>> -> memref<128x128xf32, #tpu.memory_space<vmem>>
      tpu.wait_dma2 semaphore(%run_scoped3A_70 : memref<!tpu.dma_semaphore, #tpu.memory_space<semaphore_mem>>) src(%dma_wait3A_93 : memref<128x128xf32, #tpu.memory_space<vmem>>) dst(%dma_wait3A_89 : memref<128x128xf32, #tpu.memory_space<vmem_shared>>)
      tpu.yield
    }) : () -> ()
    %add3A_24 = arith.constant 384 : i32
    %add3A_25 = arith.addi %mul3A_2, %add3A_24 : i32
    %run_scoped3A_26 = arith.constant 0 : i32
    "tpu.region"() ({
      %run_scoped3A_70 = tpu.sem_alloc : memref<!tpu.dma_semaphore, #tpu.memory_space<semaphore_mem>>
      %dma_start3A_71 = arith.constant 0 : i32
      %dma_start3A_72 = arith.constant 0 : i32
      %dma_start3A_73 = tpu.memref_slice %arg7[%run_scoped3A_26, %dma_start3A_71, %dma_start3A_72] : memref<2x128x128xf32, #tpu.memory_space<vmem>> -> memref<1x128x128xf32, #tpu.memory_space<vmem>>
      %dma_start3A_74 = tpu.memref_squeeze %dma_start3A_73 : memref<1x128x128xf32, #tpu.memory_space<vmem>> -> memref<128x128xf32, #tpu.memory_space<vmem>>
      %dma_start3A_75 = arith.constant 0 : i32
      %dma_start3A_76 = tpu.memref_slice %arg9[%add3A_25, %dma_start3A_75] : memref<10240x128xf32, #tpu.memory_space<vmem_shared>> -> memref<128x128xf32, #tpu.memory_space<vmem_shared>>
      %dma_start3A_77 = arith.constant 0 : i32
      %dma_start3A_78 = tpu.memref_slice %arg9[%add3A_25, %dma_start3A_77] : memref<10240x128xf32, #tpu.memory_space<vmem_shared>> -> memref<128x128xf32, #tpu.memory_space<vmem_shared>>
      %dma_start3A_79 = arith.constant 0 : i32
      %dma_start3A_80 = arith.constant 0 : i32
      %dma_start3A_81 = tpu.memref_slice %arg7[%run_scoped3A_26, %dma_start3A_79, %dma_start3A_80] : memref<2x128x128xf32, #tpu.memory_space<vmem>> -> memref<1x128x128xf32, #tpu.memory_space<vmem>>
      %dma_start3A_82 = tpu.memref_squeeze %dma_start3A_81 : memref<1x128x128xf32, #tpu.memory_space<vmem>> -> memref<128x128xf32, #tpu.memory_space<vmem>>
      tpu.enqueue_dma source(%dma_start3A_82 : memref<128x128xf32, #tpu.memory_space<vmem>>) target(%dma_start3A_78 : memref<128x128xf32, #tpu.memory_space<vmem_shared>>) target_semaphore(%run_scoped3A_70 : memref<!tpu.dma_semaphore, #tpu.memory_space<semaphore_mem>>)
      %dma_wait3A = arith.constant 0 : i32
      %dma_wait3A_83 = arith.constant 0 : i32
      %dma_wait3A_84 = tpu.memref_slice %arg7[%run_scoped3A_26, %dma_wait3A, %dma_wait3A_83] : memref<2x128x128xf32, #tpu.memory_space<vmem>> -> memref<1x128x128xf32, #tpu.memory_space<vmem>>
      %dma_wait3A_85 = tpu.memref_squeeze %dma_wait3A_84 : memref<1x128x128xf32, #tpu.memory_space<vmem>> -> memref<128x128xf32, #tpu.memory_space<vmem>>
      %dma_wait3A_86 = arith.constant 0 : i32
      %dma_wait3A_87 = tpu.memref_slice %arg9[%add3A_25, %dma_wait3A_86] : memref<10240x128xf32, #tpu.memory_space<vmem_shared>> -> memref<128x128xf32, #tpu.memory_space<vmem_shared>>
      %dma_wait3A_88 = arith.constant 0 : i32
      %dma_wait3A_89 = tpu.memref_slice %arg9[%add3A_25, %dma_wait3A_88] : memref<10240x128xf32, #tpu.memory_space<vmem_shared>> -> memref<128x128xf32, #tpu.memory_space<vmem_shared>>
      %dma_wait3A_90 = arith.constant 0 : i32
      %dma_wait3A_91 = arith.constant 0 : i32
      %dma_wait3A_92 = tpu.memref_slice %arg7[%run_scoped3A_26, %dma_wait3A_90, %dma_wait3A_91] : memref<2x128x128xf32, #tpu.memory_space<vmem>> -> memref<1x128x128xf32, #tpu.memory_space<vmem>>
      %dma_wait3A_93 = tpu.memref_squeeze %dma_wait3A_92 : memref<1x128x128xf32, #tpu.memory_space<vmem>> -> memref<128x128xf32, #tpu.memory_space<vmem>>
      tpu.wait_dma2 semaphore(%run_scoped3A_70 : memref<!tpu.dma_semaphore, #tpu.memory_space<semaphore_mem>>) src(%dma_wait3A_93 : memref<128x128xf32, #tpu.memory_space<vmem>>) dst(%dma_wait3A_89 : memref<128x128xf32, #tpu.memory_space<vmem_shared>>)
      tpu.yield
    }) : () -> ()
    %add3A_27 = arith.constant 512 : i32
    %add3A_28 = arith.addi %mul3A_2, %add3A_27 : i32
    %run_scoped3A_29 = arith.constant 0 : i32
    "tpu.region"() ({
      %run_scoped3A_70 = tpu.sem_alloc : memref<!tpu.dma_semaphore, #tpu.memory_space<semaphore_mem>>
      %dma_start3A_71 = arith.constant 0 : i32
      %dma_start3A_72 = arith.constant 0 : i32
      %dma_start3A_73 = tpu.memref_slice %arg7[%run_scoped3A_29, %dma_start3A_71, %dma_start3A_72] : memref<2x128x128xf32, #tpu.memory_space<vmem>> -> memref<1x128x128xf32, #tpu.memory_space<vmem>>
      %dma_start3A_74 = tpu.memref_squeeze %dma_start3A_73 : memref<1x128x128xf32, #tpu.memory_space<vmem>> -> memref<128x128xf32, #tpu.memory_space<vmem>>
      %dma_start3A_75 = arith.constant 0 : i32
      %dma_start3A_76 = tpu.memref_slice %arg9[%add3A_28, %dma_start3A_75] : memref<10240x128xf32, #tpu.memory_space<vmem_shared>> -> memref<128x128xf32, #tpu.memory_space<vmem_shared>>
      %dma_start3A_77 = arith.constant 0 : i32
      %dma_start3A_78 = tpu.memref_slice %arg9[%add3A_28, %dma_start3A_77] : memref<10240x128xf32, #tpu.memory_space<vmem_shared>> -> memref<128x128xf32, #tpu.memory_space<vmem_shared>>
      %dma_start3A_79 = arith.constant 0 : i32
      %dma_start3A_80 = arith.constant 0 : i32
      %dma_start3A_81 = tpu.memref_slice %arg7[%run_scoped3A_29, %dma_start3A_79, %dma_start3A_80] : memref<2x128x128xf32, #tpu.memory_space<vmem>> -> memref<1x128x128xf32, #tpu.memory_space<vmem>>
      %dma_start3A_82 = tpu.memref_squeeze %dma_start3A_81 : memref<1x128x128xf32, #tpu.memory_space<vmem>> -> memref<128x128xf32, #tpu.memory_space<vmem>>
      tpu.enqueue_dma source(%dma_start3A_82 : memref<128x128xf32, #tpu.memory_space<vmem>>) target(%dma_start3A_78 : memref<128x128xf32, #tpu.memory_space<vmem_shared>>) target_semaphore(%run_scoped3A_70 : memref<!tpu.dma_semaphore, #tpu.memory_space<semaphore_mem>>)
      %dma_wait3A = arith.constant 0 : i32
      %dma_wait3A_83 = arith.constant 0 : i32
      %dma_wait3A_84 = tpu.memref_slice %arg7[%run_scoped3A_29, %dma_wait3A, %dma_wait3A_83] : memref<2x128x128xf32, #tpu.memory_space<vmem>> -> memref<1x128x128xf32, #tpu.memory_space<vmem>>
      %dma_wait3A_85 = tpu.memref_squeeze %dma_wait3A_84 : memref<1x128x128xf32, #tpu.memory_space<vmem>> -> memref<128x128xf32, #tpu.memory_space<vmem>>
      %dma_wait3A_86 = arith.constant 0 : i32
      %dma_wait3A_87 = tpu.memref_slice %arg9[%add3A_28, %dma_wait3A_86] : memref<10240x128xf32, #tpu.memory_space<vmem_shared>> -> memref<128x128xf32, #tpu.memory_space<vmem_shared>>
      %dma_wait3A_88 = arith.constant 0 : i32
      %dma_wait3A_89 = tpu.memref_slice %arg9[%add3A_28, %dma_wait3A_88] : memref<10240x128xf32, #tpu.memory_space<vmem_shared>> -> memref<128x128xf32, #tpu.memory_space<vmem_shared>>
      %dma_wait3A_90 = arith.constant 0 : i32
      %dma_wait3A_91 = arith.constant 0 : i32
      %dma_wait3A_92 = tpu.memref_slice %arg7[%run_scoped3A_29, %dma_wait3A_90, %dma_wait3A_91] : memref<2x128x128xf32, #tpu.memory_space<vmem>> -> memref<1x128x128xf32, #tpu.memory_space<vmem>>
      %dma_wait3A_93 = tpu.memref_squeeze %dma_wait3A_92 : memref<1x128x128xf32, #tpu.memory_space<vmem>> -> memref<128x128xf32, #tpu.memory_space<vmem>>
      tpu.wait_dma2 semaphore(%run_scoped3A_70 : memref<!tpu.dma_semaphore, #tpu.memory_space<semaphore_mem>>) src(%dma_wait3A_93 : memref<128x128xf32, #tpu.memory_space<vmem>>) dst(%dma_wait3A_89 : memref<128x128xf32, #tpu.memory_space<vmem_shared>>)
      tpu.yield
    }) : () -> ()
    %run_scoped3A_30 = arith.constant 0 : i32
    %run_scoped3A_31 = arith.constant 0 : i32
    "tpu.region"() ({
      %run_scoped3A_70 = tpu.sem_alloc : memref<!tpu.dma_semaphore, #tpu.memory_space<semaphore_mem>>
      %dma_start3A_71 = arith.constant 0 : i32
      %dma_start3A_72 = arith.constant 0 : i32
      %dma_start3A_73 = arith.constant 0 : i32
      %dma_start3A_74 = tpu.memref_slice %arg6[%run_scoped3A_31, %dma_start3A_71, %dma_start3A_72, %dma_start3A_73] : memref<2x8x2x128xi32, #tpu.memory_space<vmem>> -> memref<1x8x2x128xi32, #tpu.memory_space<vmem>>
      %dma_start3A_75 = tpu.memref_squeeze %dma_start3A_74 : memref<1x8x2x128xi32, #tpu.memory_space<vmem>> -> memref<8x2x128xi32, #tpu.memory_space<vmem>>
      %dma_start3A_76 = arith.constant 0 : i32
      %dma_start3A_77 = arith.constant 0 : i32
      %dma_start3A_78 = arith.constant 0 : i32
      %dma_start3A_79 = tpu.memref_slice %arg3[%add3A, %run_scoped3A_30, %dma_start3A_76, %dma_start3A_77, %dma_start3A_78] : memref<32x10x8x2x128xi32, #tpu.memory_space<hbm>> -> memref<1x1x8x2x128xi32, #tpu.memory_space<hbm>>
      %dma_start3A_80 = tpu.memref_squeeze %dma_start3A_79 : memref<1x1x8x2x128xi32, #tpu.memory_space<hbm>> -> memref<8x2x128xi32, #tpu.memory_space<hbm>>
      %dma_start3A_81 = arith.constant 0 : i32
      %dma_start3A_82 = arith.constant 0 : i32
      %dma_start3A_83 = arith.constant 0 : i32
      %dma_start3A_84 = tpu.memref_slice %arg6[%run_scoped3A_31, %dma_start3A_81, %dma_start3A_82, %dma_start3A_83] : memref<2x8x2x128xi32, #tpu.memory_space<vmem>> -> memref<1x8x2x128xi32, #tpu.memory_space<vmem>>
      %dma_start3A_85 = tpu.memref_squeeze %dma_start3A_84 : memref<1x8x2x128xi32, #tpu.memory_space<vmem>> -> memref<8x2x128xi32, #tpu.memory_space<vmem>>
      %dma_start3A_86 = arith.constant 0 : i32
      %dma_start3A_87 = arith.constant 0 : i32
      %dma_start3A_88 = arith.constant 0 : i32
      %dma_start3A_89 = tpu.memref_slice %arg3[%add3A, %run_scoped3A_30, %dma_start3A_86, %dma_start3A_87, %dma_start3A_88] : memref<32x10x8x2x128xi32, #tpu.memory_space<hbm>> -> memref<1x1x8x2x128xi32, #tpu.memory_space<hbm>>
      %dma_start3A_90 = tpu.memref_squeeze %dma_start3A_89 : memref<1x1x8x2x128xi32, #tpu.memory_space<hbm>> -> memref<8x2x128xi32, #tpu.memory_space<hbm>>
      tpu.enqueue_dma source(%dma_start3A_90 : memref<8x2x128xi32, #tpu.memory_space<hbm>>) target(%dma_start3A_85 : memref<8x2x128xi32, #tpu.memory_space<vmem>>) target_semaphore(%run_scoped3A_70 : memref<!tpu.dma_semaphore, #tpu.memory_space<semaphore_mem>>)
      %dma_wait3A = arith.constant 0 : i32
      %dma_wait3A_91 = arith.constant 0 : i32
      %dma_wait3A_92 = arith.constant 0 : i32
      %dma_wait3A_93 = tpu.memref_slice %arg6[%run_scoped3A_31, %dma_wait3A, %dma_wait3A_91, %dma_wait3A_92] : memref<2x8x2x128xi32, #tpu.memory_space<vmem>> -> memref<1x8x2x128xi32, #tpu.memory_space<vmem>>
      %dma_wait3A_94 = tpu.memref_squeeze %dma_wait3A_93 : memref<1x8x2x128xi32, #tpu.memory_space<vmem>> -> memref<8x2x128xi32, #tpu.memory_space<vmem>>
      %dma_wait3A_95 = arith.constant 0 : i32
      %dma_wait3A_96 = arith.constant 0 : i32
      %dma_wait3A_97 = arith.constant 0 : i32
      %dma_wait3A_98 = tpu.memref_slice %arg3[%add3A, %run_scoped3A_30, %dma_wait3A_95, %dma_wait3A_96, %dma_wait3A_97] : memref<32x10x8x2x128xi32, #tpu.memory_space<hbm>> -> memref<1x1x8x2x128xi32, #tpu.memory_space<hbm>>
      %dma_wait3A_99 = tpu.memref_squeeze %dma_wait3A_98 : memref<1x1x8x2x128xi32, #tpu.memory_space<hbm>> -> memref<8x2x128xi32, #tpu.memory_space<hbm>>
      %dma_wait3A_100 = arith.constant 0 : i32
      %dma_wait3A_101 = arith.constant 0 : i32
      %dma_wait3A_102 = arith.constant 0 : i32
      %dma_wait3A_103 = tpu.memref_slice %arg6[%run_scoped3A_31, %dma_wait3A_100, %dma_wait3A_101, %dma_wait3A_102] : memref<2x8x2x128xi32, #tpu.memory_space<vmem>> -> memref<1x8x2x128xi32, #tpu.memory_space<vmem>>
      %dma_wait3A_104 = tpu.memref_squeeze %dma_wait3A_103 : memref<1x8x2x128xi32, #tpu.memory_space<vmem>> -> memref<8x2x128xi32, #tpu.memory_space<vmem>>
      %dma_wait3A_105 = arith.constant 0 : i32
      %dma_wait3A_106 = arith.constant 0 : i32
      %dma_wait3A_107 = arith.constant 0 : i32
      %dma_wait3A_108 = tpu.memref_slice %arg3[%add3A, %run_scoped3A_30, %dma_wait3A_105, %dma_wait3A_106, %dma_wait3A_107] : memref<32x10x8x2x128xi32, #tpu.memory_space<hbm>> -> memref<1x1x8x2x128xi32, #tpu.memory_space<hbm>>
      %dma_wait3A_109 = tpu.memref_squeeze %dma_wait3A_108 : memref<1x1x8x2x128xi32, #tpu.memory_space<hbm>> -> memref<8x2x128xi32, #tpu.memory_space<hbm>>
      tpu.wait_dma2 semaphore(%run_scoped3A_70 : memref<!tpu.dma_semaphore, #tpu.memory_space<semaphore_mem>>) src(%dma_wait3A_109 : memref<8x2x128xi32, #tpu.memory_space<hbm>>) dst(%dma_wait3A_104 : memref<8x2x128xi32, #tpu.memory_space<vmem>>)
      tpu.yield
    }) : () -> ()
    %barrier3A = arith.constant 0 : index
    tpu.barrier barrier_id(%barrier3A)
    %broadcast_in_dim3A_32 = arith.constant 1.000000e+00 : f32
    %broadcast_in_dim3A_33 = vector.broadcast %broadcast_in_dim3A_32 : f32 to vector<16xf32>
    %dma_start3A = arith.constant 0 : i32
    %dma_start3A_34 = arith.constant 0 : i32
    %dma_start3A_35 = arith.constant 0 : i32
    %dma_start3A_36 = arith.constant 0 : i32
    %dma_start3A_37 = arith.constant 0 : i32
    %dma_start3A_38 = arith.constant 0 : i32
    %dma_start3A_39 = tpu.memref_slice %arg7[%dma_start3A_36, %dma_start3A_37, %dma_start3A_38] : memref<2x128x128xf32, #tpu.memory_space<vmem>> -> memref<1x128x128xf32, #tpu.memory_space<vmem>>
    %dma_start3A_40 = tpu.memref_squeeze %dma_start3A_39 : memref<1x128x128xf32, #tpu.memory_space<vmem>> -> memref<128x128xf32, #tpu.memory_space<vmem>>
    %dma_start3A_41 = arith.constant 0 : i32
    %dma_start3A_42 = tpu.memref_slice %arg6[%dma_start3A, %dma_start3A_34, %dma_start3A_35, %dma_start3A_41] : memref<2x8x2x128xi32, #tpu.memory_space<vmem>> -> memref<1x1x1x128xi32, #tpu.memory_space<vmem>>
    %dma_start3A_43 = tpu.memref_squeeze %dma_start3A_42 : memref<1x1x1x128xi32, #tpu.memory_space<vmem>> -> memref<128xi32, #tpu.memory_space<vmem>>
    %dma_start3A_44 = arith.constant 0 : i32
    %dma_start3A_45 = arith.constant 0 : i32
    %dma_start3A_46 = tpu.memref_slice %arg2[%dma_start3A_44, %dma_start3A_45] : memref<10240x128xf32, #tpu.memory_space<hbm>> -> memref<10240x128xf32, #tpu.memory_space<hbm>>
    tpu.enqueue_indirect_dma source(%dma_start3A_46 : memref<10240x128xf32, #tpu.memory_space<hbm>>) target(%dma_start3A_40 : memref<128x128xf32, #tpu.memory_space<vmem>>) offsets(%dma_start3A_43 : memref<128xi32, #tpu.memory_space<vmem>>) semaphore(%arg10 : memref<!tpu.dma_semaphore, #tpu.memory_space<semaphore_mem>>)
    %dma_start3A_47 = arith.constant 0 : i32
    %dma_start3A_48 = arith.constant 1 : i32
    %dma_start3A_49 = arith.constant 0 : i32
    %dma_start3A_50 = arith.constant 1 : i32
    %dma_start3A_51 = arith.constant 0 : i32
    %dma_start3A_52 = arith.constant 0 : i32
    %dma_start3A_53 = tpu.memref_slice %arg7[%dma_start3A_50, %dma_start3A_51, %dma_start3A_52] : memref<2x128x128xf32, #tpu.memory_space<vmem>> -> memref<1x128x128xf32, #tpu.memory_space<vmem>>
    %dma_start3A_54 = tpu.memref_squeeze %dma_start3A_53 : memref<1x128x128xf32, #tpu.memory_space<vmem>> -> memref<128x128xf32, #tpu.memory_space<vmem>>
    %dma_start3A_55 = arith.constant 0 : i32
    %dma_start3A_56 = tpu.memref_slice %arg6[%dma_start3A_47, %dma_start3A_48, %dma_start3A_49, %dma_start3A_55] : memref<2x8x2x128xi32, #tpu.memory_space<vmem>> -> memref<1x1x1x128xi32, #tpu.memory_space<vmem>>
    %dma_start3A_57 = tpu.memref_squeeze %dma_start3A_56 : memref<1x1x1x128xi32, #tpu.memory_space<vmem>> -> memref<128xi32, #tpu.memory_space<vmem>>
    %dma_start3A_58 = arith.constant 0 : i32
    %dma_start3A_59 = arith.constant 0 : i32
    %dma_start3A_60 = tpu.memref_slice %arg2[%dma_start3A_58, %dma_start3A_59] : memref<10240x128xf32, #tpu.memory_space<hbm>> -> memref<10240x128xf32, #tpu.memory_space<hbm>>
    tpu.enqueue_indirect_dma source(%dma_start3A_60 : memref<10240x128xf32, #tpu.memory_space<hbm>>) target(%dma_start3A_54 : memref<128x128xf32, #tpu.memory_space<vmem>>) offsets(%dma_start3A_57 : memref<128xi32, #tpu.memory_space<vmem>>) semaphore(%arg11 : memref<!tpu.dma_semaphore, #tpu.memory_space<semaphore_mem>>)
    %scan3A_61 = arith.constant 0 : i32
    %scan3A_62 = arith.constant 0 : i32
    %scan3A_63 = arith.constant 40 : i32
    %scan3A_64 = arith.addi %scan3A_62, %scan3A_63 : i32
    %scan3A_65 = arith.constant 1 : i32
    scf.for %scan3A_70 = %scan3A_62 to %scan3A_64 step %scan3A_65  : i32 {
      %mul3A_71 = arith.constant 2 : i32
      %mul3A_72 = arith.muli %mul3A_71, %scan3A_70 : i32
      %and3A = arith.constant 7 : i32
      %and3A_73 = arith.andi %mul3A_72, %and3A : i32
      %eq3A = arith.constant 6 : i32
      %eq3A_74 = arith.cmpi eq, %and3A_73, %eq3A : i32
      %add3A_75 = arith.constant 2 : i32
      %add3A_76 = arith.addi %mul3A_72, %add3A_75 : i32
      %lt3A = arith.constant 80 : i32
      %lt3A_77 = arith.cmpi slt, %add3A_76, %lt3A : i32
      %and3A_78 = arith.andi %eq3A_74, %lt3A_77 : i1
      %convert_element_type3A = arith.extui %and3A_78 : i1 to i32
      %cond3A = arith.constant 0 : i32
      %cond3A_79 = arith.cmpi ne, %convert_element_type3A, %cond3A : i32
      scf.if %cond3A_79 {
        %add3A_231 = arith.constant 2 : i32
        %add3A_232 = arith.addi %mul3A_72, %add3A_231 : i32
        %shift_right_logical3A_233 = arith.constant 3 : i32
        %shift_right_logical3A_234 = arith.shrui %add3A_232, %shift_right_logical3A_233 : i32
        %and3A_235 = arith.constant 1 : i32
        %and3A_236 = arith.andi %shift_right_logical3A_234, %and3A_235 : i32
        "tpu.region"() ({
          %run_scoped3A_237 = tpu.sem_alloc : memref<!tpu.dma_semaphore, #tpu.memory_space<semaphore_mem>>
          %dma_start3A_238 = arith.constant 0 : i32
          %dma_start3A_239 = arith.constant 0 : i32
          %dma_start3A_240 = arith.constant 0 : i32
          %dma_start3A_241 = tpu.memref_slice %arg6[%and3A_236, %dma_start3A_238, %dma_start3A_239, %dma_start3A_240] : memref<2x8x2x128xi32, #tpu.memory_space<vmem>> -> memref<1x8x2x128xi32, #tpu.memory_space<vmem>>
          %dma_start3A_242 = tpu.memref_squeeze %dma_start3A_241 : memref<1x8x2x128xi32, #tpu.memory_space<vmem>> -> memref<8x2x128xi32, #tpu.memory_space<vmem>>
          %dma_start3A_243 = arith.constant 0 : i32
          %dma_start3A_244 = arith.constant 0 : i32
          %dma_start3A_245 = arith.constant 0 : i32
          %dma_start3A_246 = tpu.memref_slice %arg3[%add3A, %shift_right_logical3A_234, %dma_start3A_243, %dma_start3A_244, %dma_start3A_245] : memref<32x10x8x2x128xi32, #tpu.memory_space<hbm>> -> memref<1x1x8x2x128xi32, #tpu.memory_space<hbm>>
          %dma_start3A_247 = tpu.memref_squeeze %dma_start3A_246 : memref<1x1x8x2x128xi32, #tpu.memory_space<hbm>> -> memref<8x2x128xi32, #tpu.memory_space<hbm>>
          %dma_start3A_248 = arith.constant 0 : i32
          %dma_start3A_249 = arith.constant 0 : i32
          %dma_start3A_250 = arith.constant 0 : i32
          %dma_start3A_251 = tpu.memref_slice %arg6[%and3A_236, %dma_start3A_248, %dma_start3A_249, %dma_start3A_250] : memref<2x8x2x128xi32, #tpu.memory_space<vmem>> -> memref<1x8x2x128xi32, #tpu.memory_space<vmem>>
          %dma_start3A_252 = tpu.memref_squeeze %dma_start3A_251 : memref<1x8x2x128xi32, #tpu.memory_space<vmem>> -> memref<8x2x128xi32, #tpu.memory_space<vmem>>
          %dma_start3A_253 = arith.constant 0 : i32
          %dma_start3A_254 = arith.constant 0 : i32
          %dma_start3A_255 = arith.constant 0 : i32
          %dma_start3A_256 = tpu.memref_slice %arg3[%add3A, %shift_right_logical3A_234, %dma_start3A_253, %dma_start3A_254, %dma_start3A_255] : memref<32x10x8x2x128xi32, #tpu.memory_space<hbm>> -> memref<1x1x8x2x128xi32, #tpu.memory_space<hbm>>
          %dma_start3A_257 = tpu.memref_squeeze %dma_start3A_256 : memref<1x1x8x2x128xi32, #tpu.memory_space<hbm>> -> memref<8x2x128xi32, #tpu.memory_space<hbm>>
          tpu.enqueue_dma source(%dma_start3A_257 : memref<8x2x128xi32, #tpu.memory_space<hbm>>) target(%dma_start3A_252 : memref<8x2x128xi32, #tpu.memory_space<vmem>>) target_semaphore(%run_scoped3A_237 : memref<!tpu.dma_semaphore, #tpu.memory_space<semaphore_mem>>)
          %dma_wait3A_258 = arith.constant 0 : i32
          %dma_wait3A_259 = arith.constant 0 : i32
          %dma_wait3A_260 = arith.constant 0 : i32
          %dma_wait3A_261 = tpu.memref_slice %arg6[%and3A_236, %dma_wait3A_258, %dma_wait3A_259, %dma_wait3A_260] : memref<2x8x2x128xi32, #tpu.memory_space<vmem>> -> memref<1x8x2x128xi32, #tpu.memory_space<vmem>>
          %dma_wait3A_262 = tpu.memref_squeeze %dma_wait3A_261 : memref<1x8x2x128xi32, #tpu.memory_space<vmem>> -> memref<8x2x128xi32, #tpu.memory_space<vmem>>
          %dma_wait3A_263 = arith.constant 0 : i32
          %dma_wait3A_264 = arith.constant 0 : i32
          %dma_wait3A_265 = arith.constant 0 : i32
          %dma_wait3A_266 = tpu.memref_slice %arg3[%add3A, %shift_right_logical3A_234, %dma_wait3A_263, %dma_wait3A_264, %dma_wait3A_265] : memref<32x10x8x2x128xi32, #tpu.memory_space<hbm>> -> memref<1x1x8x2x128xi32, #tpu.memory_space<hbm>>
          %dma_wait3A_267 = tpu.memref_squeeze %dma_wait3A_266 : memref<1x1x8x2x128xi32, #tpu.memory_space<hbm>> -> memref<8x2x128xi32, #tpu.memory_space<hbm>>
          %dma_wait3A_268 = arith.constant 0 : i32
          %dma_wait3A_269 = arith.constant 0 : i32
          %dma_wait3A_270 = arith.constant 0 : i32
          %dma_wait3A_271 = tpu.memref_slice %arg6[%and3A_236, %dma_wait3A_268, %dma_wait3A_269, %dma_wait3A_270] : memref<2x8x2x128xi32, #tpu.memory_space<vmem>> -> memref<1x8x2x128xi32, #tpu.memory_space<vmem>>
          %dma_wait3A_272 = tpu.memref_squeeze %dma_wait3A_271 : memref<1x8x2x128xi32, #tpu.memory_space<vmem>> -> memref<8x2x128xi32, #tpu.memory_space<vmem>>
          %dma_wait3A_273 = arith.constant 0 : i32
          %dma_wait3A_274 = arith.constant 0 : i32
          %dma_wait3A_275 = arith.constant 0 : i32
          %dma_wait3A_276 = tpu.memref_slice %arg3[%add3A, %shift_right_logical3A_234, %dma_wait3A_273, %dma_wait3A_274, %dma_wait3A_275] : memref<32x10x8x2x128xi32, #tpu.memory_space<hbm>> -> memref<1x1x8x2x128xi32, #tpu.memory_space<hbm>>
          %dma_wait3A_277 = tpu.memref_squeeze %dma_wait3A_276 : memref<1x1x8x2x128xi32, #tpu.memory_space<hbm>> -> memref<8x2x128xi32, #tpu.memory_space<hbm>>
          tpu.wait_dma2 semaphore(%run_scoped3A_237 : memref<!tpu.dma_semaphore, #tpu.memory_space<semaphore_mem>>) src(%dma_wait3A_277 : memref<8x2x128xi32, #tpu.memory_space<hbm>>) dst(%dma_wait3A_272 : memref<8x2x128xi32, #tpu.memory_space<vmem>>)
          tpu.yield
        }) : () -> ()
      } else {
      }
      %shift_right_logical3A = arith.constant 3 : i32
      %shift_right_logical3A_80 = arith.shrui %mul3A_72, %shift_right_logical3A : i32
      %and3A_81 = arith.constant 1 : i32
      %and3A_82 = arith.andi %shift_right_logical3A_80, %and3A_81 : i32
      %and3A_83 = arith.constant 7 : i32
      %and3A_84 = arith.andi %mul3A_72, %and3A_83 : i32
      %dma_wait3A = arith.constant 0 : i32
      %dma_wait3A_85 = arith.constant 0 : i32
      %dma_wait3A_86 = arith.constant 0 : i32
      %dma_wait3A_87 = arith.constant 0 : i32
      %dma_wait3A_88 = tpu.memref_slice %arg7[%dma_wait3A_85, %dma_wait3A_86, %dma_wait3A_87] : memref<2x128x128xf32, #tpu.memory_space<vmem>> -> memref<1x128x128xf32, #tpu.memory_space<vmem>>
      %dma_wait3A_89 = tpu.memref_squeeze %dma_wait3A_88 : memref<1x128x128xf32, #tpu.memory_space<vmem>> -> memref<128x128xf32, #tpu.memory_space<vmem>>
      %dma_wait3A_90 = arith.constant 0 : i32
      %dma_wait3A_91 = tpu.memref_slice %arg6[%and3A_82, %and3A_84, %dma_wait3A, %dma_wait3A_90] : memref<2x8x2x128xi32, #tpu.memory_space<vmem>> -> memref<1x1x1x128xi32, #tpu.memory_space<vmem>>
      %dma_wait3A_92 = tpu.memref_squeeze %dma_wait3A_91 : memref<1x1x1x128xi32, #tpu.memory_space<vmem>> -> memref<128xi32, #tpu.memory_space<vmem>>
      %dma_wait3A_93 = arith.constant 0 : i32
      %dma_wait3A_94 = arith.constant 0 : i32
      %dma_wait3A_95 = tpu.memref_slice %arg2[%dma_wait3A_93, %dma_wait3A_94] : memref<10240x128xf32, #tpu.memory_space<hbm>> -> memref<10240x128xf32, #tpu.memory_space<hbm>>
      tpu.wait_indirect_dma semaphore(%arg10 : memref<!tpu.dma_semaphore, #tpu.memory_space<semaphore_mem>>) src(%dma_wait3A_95 : memref<10240x128xf32, #tpu.memory_space<hbm>>) dst(%dma_wait3A_89 : memref<128x128xf32, #tpu.memory_space<vmem>>)
      %run_scoped3A_96 = arith.constant 0 : i32
      %run_scoped3A_97 = arith.constant 1 : i32
      "tpu.region"() ({
        %run_scoped3A_231 = tpu.sem_alloc : memref<!tpu.dma_semaphore, #tpu.memory_space<semaphore_mem>>
        %dma_start3A_232 = arith.constant 0 : i32
        %dma_start3A_233 = arith.constant 0 : i32
        %dma_start3A_234 = tpu.memref_slice %arg7[%run_scoped3A_96, %dma_start3A_232, %dma_start3A_233] : memref<2x128x128xf32, #tpu.memory_space<vmem>> -> memref<1x128x128xf32, #tpu.memory_space<vmem>>
        %dma_start3A_235 = tpu.memref_squeeze %dma_start3A_234 : memref<1x128x128xf32, #tpu.memory_space<vmem>> -> memref<128x128xf32, #tpu.memory_space<vmem>>
        %dma_start3A_236 = arith.constant 0 : i32
        %dma_start3A_237 = tpu.memref_slice %arg6[%and3A_82, %and3A_84, %run_scoped3A_97, %dma_start3A_236] : memref<2x8x2x128xi32, #tpu.memory_space<vmem>> -> memref<1x1x1x128xi32, #tpu.memory_space<vmem>>
        %dma_start3A_238 = tpu.memref_squeeze %dma_start3A_237 : memref<1x1x1x128xi32, #tpu.memory_space<vmem>> -> memref<128xi32, #tpu.memory_space<vmem>>
        %dma_start3A_239 = arith.constant 0 : i32
        %dma_start3A_240 = arith.constant 0 : i32
        %dma_start3A_241 = tpu.memref_slice %arg9[%dma_start3A_239, %dma_start3A_240] : memref<10240x128xf32, #tpu.memory_space<vmem_shared>> -> memref<10240x128xf32, #tpu.memory_space<vmem_shared>>
        tpu.enqueue_indirect_dma source(%dma_start3A_235 : memref<128x128xf32, #tpu.memory_space<vmem>>) target(%dma_start3A_241 : memref<10240x128xf32, #tpu.memory_space<vmem_shared>>) offsets(%dma_start3A_238 : memref<128xi32, #tpu.memory_space<vmem>>) semaphore(%run_scoped3A_231 : memref<!tpu.dma_semaphore, #tpu.memory_space<semaphore_mem>>) {add = true}
        %dma_wait3A_242 = arith.constant 0 : i32
        %dma_wait3A_243 = arith.constant 0 : i32
        %dma_wait3A_244 = tpu.memref_slice %arg7[%run_scoped3A_96, %dma_wait3A_242, %dma_wait3A_243] : memref<2x128x128xf32, #tpu.memory_space<vmem>> -> memref<1x128x128xf32, #tpu.memory_space<vmem>>
        %dma_wait3A_245 = tpu.memref_squeeze %dma_wait3A_244 : memref<1x128x128xf32, #tpu.memory_space<vmem>> -> memref<128x128xf32, #tpu.memory_space<vmem>>
        %dma_wait3A_246 = arith.constant 0 : i32
        %dma_wait3A_247 = tpu.memref_slice %arg6[%and3A_82, %and3A_84, %run_scoped3A_97, %dma_wait3A_246] : memref<2x8x2x128xi32, #tpu.memory_space<vmem>> -> memref<1x1x1x128xi32, #tpu.memory_space<vmem>>
        %dma_wait3A_248 = tpu.memref_squeeze %dma_wait3A_247 : memref<1x1x1x128xi32, #tpu.memory_space<vmem>> -> memref<128xi32, #tpu.memory_space<vmem>>
        %dma_wait3A_249 = arith.constant 0 : i32
        %dma_wait3A_250 = arith.constant 0 : i32
        %dma_wait3A_251 = tpu.memref_slice %arg9[%dma_wait3A_249, %dma_wait3A_250] : memref<10240x128xf32, #tpu.memory_space<vmem_shared>> -> memref<10240x128xf32, #tpu.memory_space<vmem_shared>>
        tpu.wait_indirect_dma semaphore(%run_scoped3A_231 : memref<!tpu.dma_semaphore, #tpu.memory_space<semaphore_mem>>) src(%dma_wait3A_245 : memref<128x128xf32, #tpu.memory_space<vmem>>) dst(%dma_wait3A_251 : memref<10240x128xf32, #tpu.memory_space<vmem_shared>>)
        tpu.yield
      }) : () -> ()
      %add3A_98 = arith.constant 2 : i32
      %add3A_99 = arith.addi %mul3A_72, %add3A_98 : i32
      %lt3A_100 = arith.constant 80 : i32
      %lt3A_101 = arith.cmpi slt, %add3A_99, %lt3A_100 : i32
      %convert_element_type3A_102 = arith.extui %lt3A_101 : i1 to i32
      %cond3A_103 = arith.constant 0 : i32
      %cond3A_104 = arith.constant 0 : i32
      %cond3A_105 = arith.cmpi ne, %convert_element_type3A_102, %cond3A_104 : i32
      scf.if %cond3A_105 {
        %add3A_231 = arith.constant 2 : i32
        %add3A_232 = arith.addi %mul3A_72, %add3A_231 : i32
        %shift_right_logical3A_233 = arith.constant 3 : i32
        %shift_right_logical3A_234 = arith.shrui %add3A_232, %shift_right_logical3A_233 : i32
        %and3A_235 = arith.constant 1 : i32
        %and3A_236 = arith.andi %shift_right_logical3A_234, %and3A_235 : i32
        %add3A_237 = arith.constant 2 : i32
        %add3A_238 = arith.addi %mul3A_72, %add3A_237 : i32
        %and3A_239 = arith.constant 7 : i32
        %and3A_240 = arith.andi %add3A_238, %and3A_239 : i32
        %dma_start3A_241 = arith.constant 0 : i32
        %dma_start3A_242 = arith.constant 0 : i32
        %dma_start3A_243 = arith.constant 0 : i32
        %dma_start3A_244 = tpu.memref_slice %arg7[%cond3A_103, %dma_start3A_242, %dma_start3A_243] : memref<2x128x128xf32, #tpu.memory_space<vmem>> -> memref<1x128x128xf32, #tpu.memory_space<vmem>>
        %dma_start3A_245 = tpu.memref_squeeze %dma_start3A_244 : memref<1x128x128xf32, #tpu.memory_space<vmem>> -> memref<128x128xf32, #tpu.memory_space<vmem>>
        %dma_start3A_246 = arith.constant 0 : i32
        %dma_start3A_247 = tpu.memref_slice %arg6[%and3A_236, %and3A_240, %dma_start3A_241, %dma_start3A_246] : memref<2x8x2x128xi32, #tpu.memory_space<vmem>> -> memref<1x1x1x128xi32, #tpu.memory_space<vmem>>
        %dma_start3A_248 = tpu.memref_squeeze %dma_start3A_247 : memref<1x1x1x128xi32, #tpu.memory_space<vmem>> -> memref<128xi32, #tpu.memory_space<vmem>>
        %dma_start3A_249 = arith.constant 0 : i32
        %dma_start3A_250 = arith.constant 0 : i32
        %dma_start3A_251 = tpu.memref_slice %arg2[%dma_start3A_249, %dma_start3A_250] : memref<10240x128xf32, #tpu.memory_space<hbm>> -> memref<10240x128xf32, #tpu.memory_space<hbm>>
        tpu.enqueue_indirect_dma source(%dma_start3A_251 : memref<10240x128xf32, #tpu.memory_space<hbm>>) target(%dma_start3A_245 : memref<128x128xf32, #tpu.memory_space<vmem>>) offsets(%dma_start3A_248 : memref<128xi32, #tpu.memory_space<vmem>>) semaphore(%arg10 : memref<!tpu.dma_semaphore, #tpu.memory_space<semaphore_mem>>)
      } else {
      }
      %get3A = arith.constant 1 : i32
      %get3A_106 = arith.index_cast %and3A_82 : i32 to index
      %get3A_107 = arith.index_cast %and3A_84 : i32 to index
      %get3A_108 = arith.index_cast %get3A : i32 to index
      %get3A_109 = arith.constant 0 : index
      %get3A_110 = tpu.vector_load %arg6[%get3A_106, %get3A_107, %get3A_108, %get3A_109] {strides = array<i32>} : memref<2x8x2x128xi32, #tpu.memory_space<vmem>>, vector<16xi32>,
      tpu.vector_store_idx %arg8[%get3A_110], %broadcast_in_dim3A_33 {add = true} : memref<10240xf32, #tpu.memory_space<vmem>>[vector<16xi32>], vector<16xf32>,
      %get3A_111 = arith.constant 1 : i32
      %get3A_112 = arith.index_cast %and3A_82 : i32 to index
      %get3A_113 = arith.index_cast %and3A_84 : i32 to index
      %get3A_114 = arith.index_cast %get3A_111 : i32 to index
      %get3A_115 = arith.constant 16 : index
      %get3A_116 = tpu.vector_load %arg6[%get3A_112, %get3A_113, %get3A_114, %get3A_115] {strides = array<i32>} : memref<2x8x2x128xi32, #tpu.memory_space<vmem>>, vector<16xi32>,
      tpu.vector_store_idx %arg8[%get3A_116], %broadcast_in_dim3A_33 {add = true} : memref<10240xf32, #tpu.memory_space<vmem>>[vector<16xi32>], vector<16xf32>,
      %get3A_117 = arith.constant 1 : i32
      %get3A_118 = arith.index_cast %and3A_82 : i32 to index
      %get3A_119 = arith.index_cast %and3A_84 : i32 to index
      %get3A_120 = arith.index_cast %get3A_117 : i32 to index
      %get3A_121 = arith.constant 32 : index
      %get3A_122 = tpu.vector_load %arg6[%get3A_118, %get3A_119, %get3A_120, %get3A_121] {strides = array<i32>} : memref<2x8x2x128xi32, #tpu.memory_space<vmem>>, vector<16xi32>,
      tpu.vector_store_idx %arg8[%get3A_122], %broadcast_in_dim3A_33 {add = true} : memref<10240xf32, #tpu.memory_space<vmem>>[vector<16xi32>], vector<16xf32>,
      %get3A_123 = arith.constant 1 : i32
      %get3A_124 = arith.index_cast %and3A_82 : i32 to index
      %get3A_125 = arith.index_cast %and3A_84 : i32 to index
      %get3A_126 = arith.index_cast %get3A_123 : i32 to index
      %get3A_127 = arith.constant 48 : index
      %get3A_128 = tpu.vector_load %arg6[%get3A_124, %get3A_125, %get3A_126, %get3A_127] {strides = array<i32>} : memref<2x8x2x128xi32, #tpu.memory_space<vmem>>, vector<16xi32>,
      tpu.vector_store_idx %arg8[%get3A_128], %broadcast_in_dim3A_33 {add = true} : memref<10240xf32, #tpu.memory_space<vmem>>[vector<16xi32>], vector<16xf32>,
      %get3A_129 = arith.constant 1 : i32
      %get3A_130 = arith.index_cast %and3A_82 : i32 to index
      %get3A_131 = arith.index_cast %and3A_84 : i32 to index
      %get3A_132 = arith.index_cast %get3A_129 : i32 to index
      %get3A_133 = arith.constant 64 : index
      %get3A_134 = tpu.vector_load %arg6[%get3A_130, %get3A_131, %get3A_132, %get3A_133] {strides = array<i32>} : memref<2x8x2x128xi32, #tpu.memory_space<vmem>>, vector<16xi32>,
      tpu.vector_store_idx %arg8[%get3A_134], %broadcast_in_dim3A_33 {add = true} : memref<10240xf32, #tpu.memory_space<vmem>>[vector<16xi32>], vector<16xf32>,
      %get3A_135 = arith.constant 1 : i32
      %get3A_136 = arith.index_cast %and3A_82 : i32 to index
      %get3A_137 = arith.index_cast %and3A_84 : i32 to index
      %get3A_138 = arith.index_cast %get3A_135 : i32 to index
      %get3A_139 = arith.constant 80 : index
      %get3A_140 = tpu.vector_load %arg6[%get3A_136, %get3A_137, %get3A_138, %get3A_139] {strides = array<i32>} : memref<2x8x2x128xi32, #tpu.memory_space<vmem>>, vector<16xi32>,
      tpu.vector_store_idx %arg8[%get3A_140], %broadcast_in_dim3A_33 {add = true} : memref<10240xf32, #tpu.memory_space<vmem>>[vector<16xi32>], vector<16xf32>,
      %get3A_141 = arith.constant 1 : i32
      %get3A_142 = arith.index_cast %and3A_82 : i32 to index
      %get3A_143 = arith.index_cast %and3A_84 : i32 to index
      %get3A_144 = arith.index_cast %get3A_141 : i32 to index
      %get3A_145 = arith.constant 96 : index
      %get3A_146 = tpu.vector_load %arg6[%get3A_142, %get3A_143, %get3A_144, %get3A_145] {strides = array<i32>} : memref<2x8x2x128xi32, #tpu.memory_space<vmem>>, vector<16xi32>,
      tpu.vector_store_idx %arg8[%get3A_146], %broadcast_in_dim3A_33 {add = true} : memref<10240xf32, #tpu.memory_space<vmem>>[vector<16xi32>], vector<16xf32>,
      %get3A_147 = arith.constant 1 : i32
      %get3A_148 = arith.index_cast %and3A_82 : i32 to index
      %get3A_149 = arith.index_cast %and3A_84 : i32 to index
      %get3A_150 = arith.index_cast %get3A_147 : i32 to index
      %get3A_151 = arith.constant 112 : index
      %get3A_152 = tpu.vector_load %arg6[%get3A_148, %get3A_149, %get3A_150, %get3A_151] {strides = array<i32>} : memref<2x8x2x128xi32, #tpu.memory_space<vmem>>, vector<16xi32>,
      tpu.vector_store_idx %arg8[%get3A_152], %broadcast_in_dim3A_33 {add = true} : memref<10240xf32, #tpu.memory_space<vmem>>[vector<16xi32>], vector<16xf32>,
      %add3A_153 = arith.constant 1 : i32
      %add3A_154 = arith.addi %mul3A_72, %add3A_153 : i32
      %shift_right_logical3A_155 = arith.constant 3 : i32
      %shift_right_logical3A_156 = arith.shrui %add3A_154, %shift_right_logical3A_155 : i32
      %and3A_157 = arith.constant 1 : i32
      %and3A_158 = arith.andi %shift_right_logical3A_156, %and3A_157 : i32
      %and3A_159 = arith.constant 7 : i32
      %and3A_160 = arith.andi %add3A_154, %and3A_159 : i32
      %dma_wait3A_161 = arith.constant 0 : i32
      %dma_wait3A_162 = arith.constant 1 : i32
      %dma_wait3A_163 = arith.constant 0 : i32
      %dma_wait3A_164 = arith.constant 0 : i32
      %dma_wait3A_165 = tpu.memref_slice %arg7[%dma_wait3A_162, %dma_wait3A_163, %dma_wait3A_164] : memref<2x128x128xf32, #tpu.memory_space<vmem>> -> memref<1x128x128xf32, #tpu.memory_space<vmem>>
      %dma_wait3A_166 = tpu.memref_squeeze %dma_wait3A_165 : memref<1x128x128xf32, #tpu.memory_space<vmem>> -> memref<128x128xf32, #tpu.memory_space<vmem>>
      %dma_wait3A_167 = arith.constant 0 : i32
      %dma_wait3A_168 = tpu.memref_slice %arg6[%and3A_158, %and3A_160, %dma_wait3A_161, %dma_wait3A_167] : memref<2x8x2x128xi32, #tpu.memory_space<vmem>> -> memref<1x1x1x128xi32, #tpu.memory_space<vmem>>
      %dma_wait3A_169 = tpu.memref_squeeze %dma_wait3A_168 : memref<1x1x1x128xi32, #tpu.memory_space<vmem>> -> memref<128xi32, #tpu.memory_space<vmem>>
      %dma_wait3A_170 = arith.constant 0 : i32
      %dma_wait3A_171 = arith.constant 0 : i32
      %dma_wait3A_172 = tpu.memref_slice %arg2[%dma_wait3A_170, %dma_wait3A_171] : memref<10240x128xf32, #tpu.memory_space<hbm>> -> memref<10240x128xf32, #tpu.memory_space<hbm>>
      tpu.wait_indirect_dma semaphore(%arg11 : memref<!tpu.dma_semaphore, #tpu.memory_space<semaphore_mem>>) src(%dma_wait3A_172 : memref<10240x128xf32, #tpu.memory_space<hbm>>) dst(%dma_wait3A_166 : memref<128x128xf32, #tpu.memory_space<vmem>>)
      %run_scoped3A_173 = arith.constant 1 : i32
      %run_scoped3A_174 = arith.constant 1 : i32
      "tpu.region"() ({
        %run_scoped3A_231 = tpu.sem_alloc : memref<!tpu.dma_semaphore, #tpu.memory_space<semaphore_mem>>
        %dma_start3A_232 = arith.constant 0 : i32
        %dma_start3A_233 = arith.constant 0 : i32
        %dma_start3A_234 = tpu.memref_slice %arg7[%run_scoped3A_173, %dma_start3A_232, %dma_start3A_233] : memref<2x128x128xf32, #tpu.memory_space<vmem>> -> memref<1x128x128xf32, #tpu.memory_space<vmem>>
        %dma_start3A_235 = tpu.memref_squeeze %dma_start3A_234 : memref<1x128x128xf32, #tpu.memory_space<vmem>> -> memref<128x128xf32, #tpu.memory_space<vmem>>
        %dma_start3A_236 = arith.constant 0 : i32
        %dma_start3A_237 = tpu.memref_slice %arg6[%and3A_158, %and3A_160, %run_scoped3A_174, %dma_start3A_236] : memref<2x8x2x128xi32, #tpu.memory_space<vmem>> -> memref<1x1x1x128xi32, #tpu.memory_space<vmem>>
        %dma_start3A_238 = tpu.memref_squeeze %dma_start3A_237 : memref<1x1x1x128xi32, #tpu.memory_space<vmem>> -> memref<128xi32, #tpu.memory_space<vmem>>
        %dma_start3A_239 = arith.constant 0 : i32
        %dma_start3A_240 = arith.constant 0 : i32
        %dma_start3A_241 = tpu.memref_slice %arg9[%dma_start3A_239, %dma_start3A_240] : memref<10240x128xf32, #tpu.memory_space<vmem_shared>> -> memref<10240x128xf32, #tpu.memory_space<vmem_shared>>
        tpu.enqueue_indirect_dma source(%dma_start3A_235 : memref<128x128xf32, #tpu.memory_space<vmem>>) target(%dma_start3A_241 : memref<10240x128xf32, #tpu.memory_space<vmem_shared>>) offsets(%dma_start3A_238 : memref<128xi32, #tpu.memory_space<vmem>>) semaphore(%run_scoped3A_231 : memref<!tpu.dma_semaphore, #tpu.memory_space<semaphore_mem>>) {add = true}
        %dma_wait3A_242 = arith.constant 0 : i32
        %dma_wait3A_243 = arith.constant 0 : i32
        %dma_wait3A_244 = tpu.memref_slice %arg7[%run_scoped3A_173, %dma_wait3A_242, %dma_wait3A_243] : memref<2x128x128xf32, #tpu.memory_space<vmem>> -> memref<1x128x128xf32, #tpu.memory_space<vmem>>
        %dma_wait3A_245 = tpu.memref_squeeze %dma_wait3A_244 : memref<1x128x128xf32, #tpu.memory_space<vmem>> -> memref<128x128xf32, #tpu.memory_space<vmem>>
        %dma_wait3A_246 = arith.constant 0 : i32
        %dma_wait3A_247 = tpu.memref_slice %arg6[%and3A_158, %and3A_160, %run_scoped3A_174, %dma_wait3A_246] : memref<2x8x2x128xi32, #tpu.memory_space<vmem>> -> memref<1x1x1x128xi32, #tpu.memory_space<vmem>>
        %dma_wait3A_248 = tpu.memref_squeeze %dma_wait3A_247 : memref<1x1x1x128xi32, #tpu.memory_space<vmem>> -> memref<128xi32, #tpu.memory_space<vmem>>
        %dma_wait3A_249 = arith.constant 0 : i32
        %dma_wait3A_250 = arith.constant 0 : i32
        %dma_wait3A_251 = tpu.memref_slice %arg9[%dma_wait3A_249, %dma_wait3A_250] : memref<10240x128xf32, #tpu.memory_space<vmem_shared>> -> memref<10240x128xf32, #tpu.memory_space<vmem_shared>>
        tpu.wait_indirect_dma semaphore(%run_scoped3A_231 : memref<!tpu.dma_semaphore, #tpu.memory_space<semaphore_mem>>) src(%dma_wait3A_245 : memref<128x128xf32, #tpu.memory_space<vmem>>) dst(%dma_wait3A_251 : memref<10240x128xf32, #tpu.memory_space<vmem_shared>>)
        tpu.yield
      }) : () -> ()
      %add3A_175 = arith.constant 2 : i32
      %add3A_176 = arith.addi %add3A_154, %add3A_175 : i32
      %lt3A_177 = arith.constant 80 : i32
      %lt3A_178 = arith.cmpi slt, %add3A_176, %lt3A_177 : i32
      %convert_element_type3A_179 = arith.extui %lt3A_178 : i1 to i32
      %cond3A_180 = arith.constant 1 : i32
      %cond3A_181 = arith.constant 0 : i32
      %cond3A_182 = arith.cmpi ne, %convert_element_type3A_179, %cond3A_181 : i32
      scf.if %cond3A_182 {
        %add3A_231 = arith.constant 2 : i32
        %add3A_232 = arith.addi %add3A_154, %add3A_231 : i32
        %shift_right_logical3A_233 = arith.constant 3 : i32
        %shift_right_logical3A_234 = arith.shrui %add3A_232, %shift_right_logical3A_233 : i32
        %and3A_235 = arith.constant 1 : i32
        %and3A_236 = arith.andi %shift_right_logical3A_234, %and3A_235 : i32
        %add3A_237 = arith.constant 2 : i32
        %add3A_238 = arith.addi %add3A_154, %add3A_237 : i32
        %and3A_239 = arith.constant 7 : i32
        %and3A_240 = arith.andi %add3A_238, %and3A_239 : i32
        %dma_start3A_241 = arith.constant 0 : i32
        %dma_start3A_242 = arith.constant 0 : i32
        %dma_start3A_243 = arith.constant 0 : i32
        %dma_start3A_244 = tpu.memref_slice %arg7[%cond3A_180, %dma_start3A_242, %dma_start3A_243] : memref<2x128x128xf32, #tpu.memory_space<vmem>> -> memref<1x128x128xf32, #tpu.memory_space<vmem>>
        %dma_start3A_245 = tpu.memref_squeeze %dma_start3A_244 : memref<1x128x128xf32, #tpu.memory_space<vmem>> -> memref<128x128xf32, #tpu.memory_space<vmem>>
        %dma_start3A_246 = arith.constant 0 : i32
        %dma_start3A_247 = tpu.memref_slice %arg6[%and3A_236, %and3A_240, %dma_start3A_241, %dma_start3A_246] : memref<2x8x2x128xi32, #tpu.memory_space<vmem>> -> memref<1x1x1x128xi32, #tpu.memory_space<vmem>>
        %dma_start3A_248 = tpu.memref_squeeze %dma_start3A_247 : memref<1x1x1x128xi32, #tpu.memory_space<vmem>> -> memref<128xi32, #tpu.memory_space<vmem>>
        %dma_start3A_249 = arith.constant 0 : i32
        %dma_start3A_250 = arith.constant 0 : i32
        %dma_start3A_251 = tpu.memref_slice %arg2[%dma_start3A_249, %dma_start3A_250] : memref<10240x128xf32, #tpu.memory_space<hbm>> -> memref<10240x128xf32, #tpu.memory_space<hbm>>
        tpu.enqueue_indirect_dma source(%dma_start3A_251 : memref<10240x128xf32, #tpu.memory_space<hbm>>) target(%dma_start3A_245 : memref<128x128xf32, #tpu.memory_space<vmem>>) offsets(%dma_start3A_248 : memref<128xi32, #tpu.memory_space<vmem>>) semaphore(%arg11 : memref<!tpu.dma_semaphore, #tpu.memory_space<semaphore_mem>>)
      } else {
      }
      %get3A_183 = arith.constant 1 : i32
      %get3A_184 = arith.index_cast %and3A_158 : i32 to index
      %get3A_185 = arith.index_cast %and3A_160 : i32 to index
      %get3A_186 = arith.index_cast %get3A_183 : i32 to index
      %get3A_187 = arith.constant 0 : index
      %get3A_188 = tpu.vector_load %arg6[%get3A_184, %get3A_185, %get3A_186, %get3A_187] {strides = array<i32>} : memref<2x8x2x128xi32, #tpu.memory_space<vmem>>, vector<16xi32>,
      tpu.vector_store_idx %arg8[%get3A_188], %broadcast_in_dim3A_33 {add = true} : memref<10240xf32, #tpu.memory_space<vmem>>[vector<16xi32>], vector<16xf32>,
      %get3A_189 = arith.constant 1 : i32
      %get3A_190 = arith.index_cast %and3A_158 : i32 to index
      %get3A_191 = arith.index_cast %and3A_160 : i32 to index
      %get3A_192 = arith.index_cast %get3A_189 : i32 to index
      %get3A_193 = arith.constant 16 : index
      %get3A_194 = tpu.vector_load %arg6[%get3A_190, %get3A_191, %get3A_192, %get3A_193] {strides = array<i32>} : memref<2x8x2x128xi32, #tpu.memory_space<vmem>>, vector<16xi32>,
      tpu.vector_store_idx %arg8[%get3A_194], %broadcast_in_dim3A_33 {add = true} : memref<10240xf32, #tpu.memory_space<vmem>>[vector<16xi32>], vector<16xf32>,
      %get3A_195 = arith.constant 1 : i32
      %get3A_196 = arith.index_cast %and3A_158 : i32 to index
      %get3A_197 = arith.index_cast %and3A_160 : i32 to index
      %get3A_198 = arith.index_cast %get3A_195 : i32 to index
      %get3A_199 = arith.constant 32 : index
      %get3A_200 = tpu.vector_load %arg6[%get3A_196, %get3A_197, %get3A_198, %get3A_199] {strides = array<i32>} : memref<2x8x2x128xi32, #tpu.memory_space<vmem>>, vector<16xi32>,
      tpu.vector_store_idx %arg8[%get3A_200], %broadcast_in_dim3A_33 {add = true} : memref<10240xf32, #tpu.memory_space<vmem>>[vector<16xi32>], vector<16xf32>,
      %get3A_201 = arith.constant 1 : i32
      %get3A_202 = arith.index_cast %and3A_158 : i32 to index
      %get3A_203 = arith.index_cast %and3A_160 : i32 to index
      %get3A_204 = arith.index_cast %get3A_201 : i32 to index
      %get3A_205 = arith.constant 48 : index
      %get3A_206 = tpu.vector_load %arg6[%get3A_202, %get3A_203, %get3A_204, %get3A_205] {strides = array<i32>} : memref<2x8x2x128xi32, #tpu.memory_space<vmem>>, vector<16xi32>,
      tpu.vector_store_idx %arg8[%get3A_206], %broadcast_in_dim3A_33 {add = true} : memref<10240xf32, #tpu.memory_space<vmem>>[vector<16xi32>], vector<16xf32>,
      %get3A_207 = arith.constant 1 : i32
      %get3A_208 = arith.index_cast %and3A_158 : i32 to index
      %get3A_209 = arith.index_cast %and3A_160 : i32 to index
      %get3A_210 = arith.index_cast %get3A_207 : i32 to index
      %get3A_211 = arith.constant 64 : index
      %get3A_212 = tpu.vector_load %arg6[%get3A_208, %get3A_209, %get3A_210, %get3A_211] {strides = array<i32>} : memref<2x8x2x128xi32, #tpu.memory_space<vmem>>, vector<16xi32>,
      tpu.vector_store_idx %arg8[%get3A_212], %broadcast_in_dim3A_33 {add = true} : memref<10240xf32, #tpu.memory_space<vmem>>[vector<16xi32>], vector<16xf32>,
      %get3A_213 = arith.constant 1 : i32
      %get3A_214 = arith.index_cast %and3A_158 : i32 to index
      %get3A_215 = arith.index_cast %and3A_160 : i32 to index
      %get3A_216 = arith.index_cast %get3A_213 : i32 to index
      %get3A_217 = arith.constant 80 : index
      %get3A_218 = tpu.vector_load %arg6[%get3A_214, %get3A_215, %get3A_216, %get3A_217] {strides = array<i32>} : memref<2x8x2x128xi32, #tpu.memory_space<vmem>>, vector<16xi32>,
      tpu.vector_store_idx %arg8[%get3A_218], %broadcast_in_dim3A_33 {add = true} : memref<10240xf32, #tpu.memory_space<vmem>>[vector<16xi32>], vector<16xf32>,
      %get3A_219 = arith.constant 1 : i32
      %get3A_220 = arith.index_cast %and3A_158 : i32 to index
      %get3A_221 = arith.index_cast %and3A_160 : i32 to index
      %get3A_222 = arith.index_cast %get3A_219 : i32 to index
      %get3A_223 = arith.constant 96 : index
      %get3A_224 = tpu.vector_load %arg6[%get3A_220, %get3A_221, %get3A_222, %get3A_223] {strides = array<i32>} : memref<2x8x2x128xi32, #tpu.memory_space<vmem>>, vector<16xi32>,
      tpu.vector_store_idx %arg8[%get3A_224], %broadcast_in_dim3A_33 {add = true} : memref<10240xf32, #tpu.memory_space<vmem>>[vector<16xi32>], vector<16xf32>,
      %get3A_225 = arith.constant 1 : i32
      %get3A_226 = arith.index_cast %and3A_158 : i32 to index
      %get3A_227 = arith.index_cast %and3A_160 : i32 to index
      %get3A_228 = arith.index_cast %get3A_225 : i32 to index
      %get3A_229 = arith.constant 112 : index
      %get3A_230 = tpu.vector_load %arg6[%get3A_226, %get3A_227, %get3A_228, %get3A_229] {strides = array<i32>} : memref<2x8x2x128xi32, #tpu.memory_space<vmem>>, vector<16xi32>,
      tpu.vector_store_idx %arg8[%get3A_230], %broadcast_in_dim3A_33 {add = true} : memref<10240xf32, #tpu.memory_space<vmem>>[vector<16xi32>], vector<16xf32>,
    }
    %scan3A_66 = arith.constant 40 : i32
    %mul3A_67 = arith.constant 10240 : i32
    %mul3A_68 = arith.muli %add3A, %mul3A_67 : i32
    "tpu.region"() ({
      %run_scoped3A_70 = tpu.sem_alloc : memref<!tpu.dma_semaphore, #tpu.memory_space<semaphore_mem>>
      %dma_start3A_71 = tpu.memref_slice %arg5[%mul3A_68] : memref<327680xf32, #tpu.memory_space<hbm>> -> memref<10240xf32, #tpu.memory_space<hbm>>
      %dma_start3A_72 = tpu.memref_slice %arg5[%mul3A_68] : memref<327680xf32, #tpu.memory_space<hbm>> -> memref<10240xf32, #tpu.memory_space<hbm>>
      tpu.enqueue_dma source(%arg8 : memref<10240xf32, #tpu.memory_space<vmem>>) target(%dma_start3A_72 : memref<10240xf32, #tpu.memory_space<hbm>>) target_semaphore(%run_scoped3A_70 : memref<!tpu.dma_semaphore, #tpu.memory_space<semaphore_mem>>)
      %dma_wait3A = tpu.memref_slice %arg5[%mul3A_68] : memref<327680xf32, #tpu.memory_space<hbm>> -> memref<10240xf32, #tpu.memory_space<hbm>>
      %dma_wait3A_73 = tpu.memref_slice %arg5[%mul3A_68] : memref<327680xf32, #tpu.memory_space<hbm>> -> memref<10240xf32, #tpu.memory_space<hbm>>
      tpu.wait_dma2 semaphore(%run_scoped3A_70 : memref<!tpu.dma_semaphore, #tpu.memory_space<semaphore_mem>>) src(%arg8 : memref<10240xf32, #tpu.memory_space<vmem>>) dst(%dma_wait3A_73 : memref<10240xf32, #tpu.memory_space<hbm>>)
      tpu.yield
    }) : () -> ()
    %barrier3A_69 = arith.constant 0 : index
    tpu.barrier barrier_id(%barrier3A_69)
    "tpu.region"() ({
      %run_scoped3A_70 = tpu.sem_alloc : memref<!tpu.dma_semaphore, #tpu.memory_space<semaphore_mem>>
      %dma_start3A_71 = arith.constant 0 : i32
      %dma_start3A_72 = tpu.memref_slice %arg4[%arg0, %mul3A_2, %dma_start3A_71] : memref<2x10240x128xf32, #tpu.memory_space<hbm>> -> memref<1x640x128xf32, #tpu.memory_space<hbm>>
      %dma_start3A_73 = tpu.memref_squeeze %dma_start3A_72 : memref<1x640x128xf32, #tpu.memory_space<hbm>> -> memref<640x128xf32, #tpu.memory_space<hbm>>
      %dma_start3A_74 = arith.constant 0 : i32
      %dma_start3A_75 = tpu.memref_slice %arg9[%mul3A_2, %dma_start3A_74] : memref<10240x128xf32, #tpu.memory_space<vmem_shared>> -> memref<640x128xf32, #tpu.memory_space<vmem_shared>>
      tpu.enqueue_dma source(%dma_start3A_75 : memref<640x128xf32, #tpu.memory_space<vmem_shared>>) target(%dma_start3A_73 : memref<640x128xf32, #tpu.memory_space<hbm>>) target_semaphore(%run_scoped3A_70 : memref<!tpu.dma_semaphore, #tpu.memory_space<semaphore_mem>>)
      %dma_wait3A = arith.constant 0 : i32
      %dma_wait3A_76 = tpu.memref_slice %arg4[%arg0, %mul3A_2, %dma_wait3A] : memref<2x10240x128xf32, #tpu.memory_space<hbm>> -> memref<1x640x128xf32, #tpu.memory_space<hbm>>
      %dma_wait3A_77 = tpu.memref_squeeze %dma_wait3A_76 : memref<1x640x128xf32, #tpu.memory_space<hbm>> -> memref<640x128xf32, #tpu.memory_space<hbm>>
      %dma_wait3A_78 = arith.constant 0 : i32
      %dma_wait3A_79 = tpu.memref_slice %arg9[%mul3A_2, %dma_wait3A_78] : memref<10240x128xf32, #tpu.memory_space<vmem_shared>> -> memref<640x128xf32, #tpu.memory_space<vmem_shared>>
      tpu.wait_dma2 semaphore(%run_scoped3A_70 : memref<!tpu.dma_semaphore, #tpu.memory_space<semaphore_mem>>) src(%dma_wait3A_79 : memref<640x128xf32, #tpu.memory_space<vmem_shared>>) dst(%dma_wait3A_77 : memref<640x128xf32, #tpu.memory_space<hbm>>)
      tpu.yield
    }) : () -> ()
    return
  }
}

#map = affine_map<(d0, d1) -> (0, 0)>
#map1 = affine_map<(d0, d1) -> (0, 0, 0, 0, 0)>
#map2 = affine_map<(d0, d1) -> (0, 0, 0)>
module attributes {stable_mosaic.version = 14 : i64} {
  func.func @_scatter_body(%arg0: i32, %arg1: i32, %arg2: memref<10240x128xf32, #tpu.memory_space<hbm>>, %arg3: memref<32x10x8x2x128xi32, #tpu.memory_space<hbm>>, %arg4: memref<2x10240x128xf32, #tpu.memory_space<hbm>>, %arg5: memref<2x8x2x128xi32, #tpu.memory_space<vmem>>, %arg6: memref<2x128x128xf32, #tpu.memory_space<vmem>>, %arg7: memref<10240x128xf32, #tpu.memory_space<vmem_shared>>, %arg8: memref<!tpu.dma_semaphore, #tpu.memory_space<semaphore_mem>>, %arg9: memref<!tpu.dma_semaphore, #tpu.memory_space<semaphore_mem>>) attributes {dimension_semantics = [#tpu.dimension_semantics<core_parallel>, #tpu.dimension_semantics<subcore_parallel>], iteration_bounds = array<i64: 2, 16>, scalar_prefetch = 0 : i64, scratch_operands = 5 : i64, tpu.core_type = #tpu.core_type<sc_vector_subcore>, window_params = [{transform_indices = #map}, {transform_indices = #map1}, {transform_indices = #map2}]} {
    %mul3A = arith.constant 16 : i32
    %mul3A_0 = arith.muli %arg0, %mul3A : i32
    %add3A = arith.addi %mul3A_0, %arg1 : i32
    %mul3A_1 = arith.constant 640 : i32
    %mul3A_2 = arith.muli %arg1, %mul3A_1 : i32
    %broadcast_in_dim3A = arith.constant 0.000000e+00 : f32
    %broadcast_in_dim3A_3 = vector.broadcast %broadcast_in_dim3A : f32 to vector<16xf32>
    %scan3A = arith.constant 0 : i32
    %scan3A_4 = arith.constant 0 : i32
    %scan3A_5 = arith.constant 0 : i32
    %scan3A_6 = arith.constant 128 : i32
    %scan3A_7 = arith.addi %scan3A_5, %scan3A_6 : i32
    %scan3A_8 = arith.constant 1 : i32
    scf.for %scan3A_62 = %scan3A_5 to %scan3A_7 step %scan3A_8  : i32 {
      %swap3A = arith.constant 0 : i32
      %swap3A_63 = arith.constant 0 : i32
      %swap3A_64 = tpu.memref_slice %arg6[%scan3A_4, %swap3A, %swap3A_63] : memref<2x128x128xf32, #tpu.memory_space<vmem>> -> memref<1x128x128xf32, #tpu.memory_space<vmem>>
      %swap3A_65 = tpu.memref_squeeze %swap3A_64 : memref<1x128x128xf32, #tpu.memory_space<vmem>> -> memref<128x128xf32, #tpu.memory_space<vmem>>
      %swap3A_66 = arith.index_cast %scan3A_62 : i32 to index
      %swap3A_67 = arith.constant 0 : index
      %swap3A_68 = tpu.vector_load %swap3A_65[%swap3A_66, %swap3A_67] {strides = array<i32>} : memref<128x128xf32, #tpu.memory_space<vmem>>, vector<16xf32>,
      tpu.vector_store %swap3A_65[%swap3A_66, %swap3A_67], %broadcast_in_dim3A_3 {strides = array<i32>} : memref<128x128xf32, #tpu.memory_space<vmem>>, vector<16xf32>,
      %swap3A_69 = arith.constant 0 : i32
      %swap3A_70 = arith.constant 0 : i32
      %swap3A_71 = tpu.memref_slice %arg6[%scan3A_4, %swap3A_69, %swap3A_70] : memref<2x128x128xf32, #tpu.memory_space<vmem>> -> memref<1x128x128xf32, #tpu.memory_space<vmem>>
      %swap3A_72 = tpu.memref_squeeze %swap3A_71 : memref<1x128x128xf32, #tpu.memory_space<vmem>> -> memref<128x128xf32, #tpu.memory_space<vmem>>
      %swap3A_73 = arith.index_cast %scan3A_62 : i32 to index
      %swap3A_74 = arith.constant 16 : index
      %swap3A_75 = tpu.vector_load %swap3A_72[%swap3A_73, %swap3A_74] {strides = array<i32>} : memref<128x128xf32, #tpu.memory_space<vmem>>, vector<16xf32>,
      tpu.vector_store %swap3A_72[%swap3A_73, %swap3A_74], %broadcast_in_dim3A_3 {strides = array<i32>} : memref<128x128xf32, #tpu.memory_space<vmem>>, vector<16xf32>,
      %swap3A_76 = arith.constant 0 : i32
      %swap3A_77 = arith.constant 0 : i32
      %swap3A_78 = tpu.memref_slice %arg6[%scan3A_4, %swap3A_76, %swap3A_77] : memref<2x128x128xf32, #tpu.memory_space<vmem>> -> memref<1x128x128xf32, #tpu.memory_space<vmem>>
      %swap3A_79 = tpu.memref_squeeze %swap3A_78 : memref<1x128x128xf32, #tpu.memory_space<vmem>> -> memref<128x128xf32, #tpu.memory_space<vmem>>
      %swap3A_80 = arith.index_cast %scan3A_62 : i32 to index
      %swap3A_81 = arith.constant 32 : index
      %swap3A_82 = tpu.vector_load %swap3A_79[%swap3A_80, %swap3A_81] {strides = array<i32>} : memref<128x128xf32, #tpu.memory_space<vmem>>, vector<16xf32>,
      tpu.vector_store %swap3A_79[%swap3A_80, %swap3A_81], %broadcast_in_dim3A_3 {strides = array<i32>} : memref<128x128xf32, #tpu.memory_space<vmem>>, vector<16xf32>,
      %swap3A_83 = arith.constant 0 : i32
      %swap3A_84 = arith.constant 0 : i32
      %swap3A_85 = tpu.memref_slice %arg6[%scan3A_4, %swap3A_83, %swap3A_84] : memref<2x128x128xf32, #tpu.memory_space<vmem>> -> memref<1x128x128xf32, #tpu.memory_space<vmem>>
      %swap3A_86 = tpu.memref_squeeze %swap3A_85 : memref<1x128x128xf32, #tpu.memory_space<vmem>> -> memref<128x128xf32, #tpu.memory_space<vmem>>
      %swap3A_87 = arith.index_cast %scan3A_62 : i32 to index
      %swap3A_88 = arith.constant 48 : index
      %swap3A_89 = tpu.vector_load %swap3A_86[%swap3A_87, %swap3A_88] {strides = array<i32>} : memref<128x128xf32, #tpu.memory_space<vmem>>, vector<16xf32>,
      tpu.vector_store %swap3A_86[%swap3A_87, %swap3A_88], %broadcast_in_dim3A_3 {strides = array<i32>} : memref<128x128xf32, #tpu.memory_space<vmem>>, vector<16xf32>,
      %swap3A_90 = arith.constant 0 : i32
      %swap3A_91 = arith.constant 0 : i32
      %swap3A_92 = tpu.memref_slice %arg6[%scan3A_4, %swap3A_90, %swap3A_91] : memref<2x128x128xf32, #tpu.memory_space<vmem>> -> memref<1x128x128xf32, #tpu.memory_space<vmem>>
      %swap3A_93 = tpu.memref_squeeze %swap3A_92 : memref<1x128x128xf32, #tpu.memory_space<vmem>> -> memref<128x128xf32, #tpu.memory_space<vmem>>
      %swap3A_94 = arith.index_cast %scan3A_62 : i32 to index
      %swap3A_95 = arith.constant 64 : index
      %swap3A_96 = tpu.vector_load %swap3A_93[%swap3A_94, %swap3A_95] {strides = array<i32>} : memref<128x128xf32, #tpu.memory_space<vmem>>, vector<16xf32>,
      tpu.vector_store %swap3A_93[%swap3A_94, %swap3A_95], %broadcast_in_dim3A_3 {strides = array<i32>} : memref<128x128xf32, #tpu.memory_space<vmem>>, vector<16xf32>,
      %swap3A_97 = arith.constant 0 : i32
      %swap3A_98 = arith.constant 0 : i32
      %swap3A_99 = tpu.memref_slice %arg6[%scan3A_4, %swap3A_97, %swap3A_98] : memref<2x128x128xf32, #tpu.memory_space<vmem>> -> memref<1x128x128xf32, #tpu.memory_space<vmem>>
      %swap3A_100 = tpu.memref_squeeze %swap3A_99 : memref<1x128x128xf32, #tpu.memory_space<vmem>> -> memref<128x128xf32, #tpu.memory_space<vmem>>
      %swap3A_101 = arith.index_cast %scan3A_62 : i32 to index
      %swap3A_102 = arith.constant 80 : index
      %swap3A_103 = tpu.vector_load %swap3A_100[%swap3A_101, %swap3A_102] {strides = array<i32>} : memref<128x128xf32, #tpu.memory_space<vmem>>, vector<16xf32>,
      tpu.vector_store %swap3A_100[%swap3A_101, %swap3A_102], %broadcast_in_dim3A_3 {strides = array<i32>} : memref<128x128xf32, #tpu.memory_space<vmem>>, vector<16xf32>,
      %swap3A_104 = arith.constant 0 : i32
      %swap3A_105 = arith.constant 0 : i32
      %swap3A_106 = tpu.memref_slice %arg6[%scan3A_4, %swap3A_104, %swap3A_105] : memref<2x128x128xf32, #tpu.memory_space<vmem>> -> memref<1x128x128xf32, #tpu.memory_space<vmem>>
      %swap3A_107 = tpu.memref_squeeze %swap3A_106 : memref<1x128x128xf32, #tpu.memory_space<vmem>> -> memref<128x128xf32, #tpu.memory_space<vmem>>
      %swap3A_108 = arith.index_cast %scan3A_62 : i32 to index
      %swap3A_109 = arith.constant 96 : index
      %swap3A_110 = tpu.vector_load %swap3A_107[%swap3A_108, %swap3A_109] {strides = array<i32>} : memref<128x128xf32, #tpu.memory_space<vmem>>, vector<16xf32>,
      tpu.vector_store %swap3A_107[%swap3A_108, %swap3A_109], %broadcast_in_dim3A_3 {strides = array<i32>} : memref<128x128xf32, #tpu.memory_space<vmem>>, vector<16xf32>,
      %swap3A_111 = arith.constant 0 : i32
      %swap3A_112 = arith.constant 0 : i32
      %swap3A_113 = tpu.memref_slice %arg6[%scan3A_4, %swap3A_111, %swap3A_112] : memref<2x128x128xf32, #tpu.memory_space<vmem>> -> memref<1x128x128xf32, #tpu.memory_space<vmem>>
      %swap3A_114 = tpu.memref_squeeze %swap3A_113 : memref<1x128x128xf32, #tpu.memory_space<vmem>> -> memref<128x128xf32, #tpu.memory_space<vmem>>
      %swap3A_115 = arith.index_cast %scan3A_62 : i32 to index
      %swap3A_116 = arith.constant 112 : index
      %swap3A_117 = tpu.vector_load %swap3A_114[%swap3A_115, %swap3A_116] {strides = array<i32>} : memref<128x128xf32, #tpu.memory_space<vmem>>, vector<16xf32>,
      tpu.vector_store %swap3A_114[%swap3A_115, %swap3A_116], %broadcast_in_dim3A_3 {strides = array<i32>} : memref<128x128xf32, #tpu.memory_space<vmem>>, vector<16xf32>,
    }
    %scan3A_9 = arith.constant 128 : i32
    %add3A_10 = arith.constant 0 : i32
    %add3A_11 = arith.addi %mul3A_2, %add3A_10 : i32
    %run_scoped3A = arith.constant 0 : i32
    "tpu.region"() ({
      %run_scoped3A_62 = tpu.sem_alloc : memref<!tpu.dma_semaphore, #tpu.memory_space<semaphore_mem>>
      %dma_start3A_63 = arith.constant 0 : i32
      %dma_start3A_64 = arith.constant 0 : i32
      %dma_start3A_65 = tpu.memref_slice %arg6[%run_scoped3A, %dma_start3A_63, %dma_start3A_64] : memref<2x128x128xf32, #tpu.memory_space<vmem>> -> memref<1x128x128xf32, #tpu.memory_space<vmem>>
      %dma_start3A_66 = tpu.memref_squeeze %dma_start3A_65 : memref<1x128x128xf32, #tpu.memory_space<vmem>> -> memref<128x128xf32, #tpu.memory_space<vmem>>
      %dma_start3A_67 = arith.constant 0 : i32
      %dma_start3A_68 = tpu.memref_slice %arg7[%add3A_11, %dma_start3A_67] : memref<10240x128xf32, #tpu.memory_space<vmem_shared>> -> memref<128x128xf32, #tpu.memory_space<vmem_shared>>
      %dma_start3A_69 = arith.constant 0 : i32
      %dma_start3A_70 = tpu.memref_slice %arg7[%add3A_11, %dma_start3A_69] : memref<10240x128xf32, #tpu.memory_space<vmem_shared>> -> memref<128x128xf32, #tpu.memory_space<vmem_shared>>
      %dma_start3A_71 = arith.constant 0 : i32
      %dma_start3A_72 = arith.constant 0 : i32
      %dma_start3A_73 = tpu.memref_slice %arg6[%run_scoped3A, %dma_start3A_71, %dma_start3A_72] : memref<2x128x128xf32, #tpu.memory_space<vmem>> -> memref<1x128x128xf32, #tpu.memory_space<vmem>>
      %dma_start3A_74 = tpu.memref_squeeze %dma_start3A_73 : memref<1x128x128xf32, #tpu.memory_space<vmem>> -> memref<128x128xf32, #tpu.memory_space<vmem>>
      tpu.enqueue_dma source(%dma_start3A_74 : memref<128x128xf32, #tpu.memory_space<vmem>>) target(%dma_start3A_70 : memref<128x128xf32, #tpu.memory_space<vmem_shared>>) target_semaphore(%run_scoped3A_62 : memref<!tpu.dma_semaphore, #tpu.memory_space<semaphore_mem>>)
      %dma_wait3A = arith.constant 0 : i32
      %dma_wait3A_75 = arith.constant 0 : i32
      %dma_wait3A_76 = tpu.memref_slice %arg6[%run_scoped3A, %dma_wait3A, %dma_wait3A_75] : memref<2x128x128xf32, #tpu.memory_space<vmem>> -> memref<1x128x128xf32, #tpu.memory_space<vmem>>
      %dma_wait3A_77 = tpu.memref_squeeze %dma_wait3A_76 : memref<1x128x128xf32, #tpu.memory_space<vmem>> -> memref<128x128xf32, #tpu.memory_space<vmem>>
      %dma_wait3A_78 = arith.constant 0 : i32
      %dma_wait3A_79 = tpu.memref_slice %arg7[%add3A_11, %dma_wait3A_78] : memref<10240x128xf32, #tpu.memory_space<vmem_shared>> -> memref<128x128xf32, #tpu.memory_space<vmem_shared>>
      %dma_wait3A_80 = arith.constant 0 : i32
      %dma_wait3A_81 = tpu.memref_slice %arg7[%add3A_11, %dma_wait3A_80] : memref<10240x128xf32, #tpu.memory_space<vmem_shared>> -> memref<128x128xf32, #tpu.memory_space<vmem_shared>>
      %dma_wait3A_82 = arith.constant 0 : i32
      %dma_wait3A_83 = arith.constant 0 : i32
      %dma_wait3A_84 = tpu.memref_slice %arg6[%run_scoped3A, %dma_wait3A_82, %dma_wait3A_83] : memref<2x128x128xf32, #tpu.memory_space<vmem>> -> memref<1x128x128xf32, #tpu.memory_space<vmem>>
      %dma_wait3A_85 = tpu.memref_squeeze %dma_wait3A_84 : memref<1x128x128xf32, #tpu.memory_space<vmem>> -> memref<128x128xf32, #tpu.memory_space<vmem>>
      tpu.wait_dma2 semaphore(%run_scoped3A_62 : memref<!tpu.dma_semaphore, #tpu.memory_space<semaphore_mem>>) src(%dma_wait3A_85 : memref<128x128xf32, #tpu.memory_space<vmem>>) dst(%dma_wait3A_81 : memref<128x128xf32, #tpu.memory_space<vmem_shared>>)
      tpu.yield
    }) : () -> ()
    %add3A_12 = arith.constant 128 : i32
    %add3A_13 = arith.addi %mul3A_2, %add3A_12 : i32
    %run_scoped3A_14 = arith.constant 0 : i32
    "tpu.region"() ({
      %run_scoped3A_62 = tpu.sem_alloc : memref<!tpu.dma_semaphore, #tpu.memory_space<semaphore_mem>>
      %dma_start3A_63 = arith.constant 0 : i32
      %dma_start3A_64 = arith.constant 0 : i32
      %dma_start3A_65 = tpu.memref_slice %arg6[%run_scoped3A_14, %dma_start3A_63, %dma_start3A_64] : memref<2x128x128xf32, #tpu.memory_space<vmem>> -> memref<1x128x128xf32, #tpu.memory_space<vmem>>
      %dma_start3A_66 = tpu.memref_squeeze %dma_start3A_65 : memref<1x128x128xf32, #tpu.memory_space<vmem>> -> memref<128x128xf32, #tpu.memory_space<vmem>>
      %dma_start3A_67 = arith.constant 0 : i32
      %dma_start3A_68 = tpu.memref_slice %arg7[%add3A_13, %dma_start3A_67] : memref<10240x128xf32, #tpu.memory_space<vmem_shared>> -> memref<128x128xf32, #tpu.memory_space<vmem_shared>>
      %dma_start3A_69 = arith.constant 0 : i32
      %dma_start3A_70 = tpu.memref_slice %arg7[%add3A_13, %dma_start3A_69] : memref<10240x128xf32, #tpu.memory_space<vmem_shared>> -> memref<128x128xf32, #tpu.memory_space<vmem_shared>>
      %dma_start3A_71 = arith.constant 0 : i32
      %dma_start3A_72 = arith.constant 0 : i32
      %dma_start3A_73 = tpu.memref_slice %arg6[%run_scoped3A_14, %dma_start3A_71, %dma_start3A_72] : memref<2x128x128xf32, #tpu.memory_space<vmem>> -> memref<1x128x128xf32, #tpu.memory_space<vmem>>
      %dma_start3A_74 = tpu.memref_squeeze %dma_start3A_73 : memref<1x128x128xf32, #tpu.memory_space<vmem>> -> memref<128x128xf32, #tpu.memory_space<vmem>>
      tpu.enqueue_dma source(%dma_start3A_74 : memref<128x128xf32, #tpu.memory_space<vmem>>) target(%dma_start3A_70 : memref<128x128xf32, #tpu.memory_space<vmem_shared>>) target_semaphore(%run_scoped3A_62 : memref<!tpu.dma_semaphore, #tpu.memory_space<semaphore_mem>>)
      %dma_wait3A = arith.constant 0 : i32
      %dma_wait3A_75 = arith.constant 0 : i32
      %dma_wait3A_76 = tpu.memref_slice %arg6[%run_scoped3A_14, %dma_wait3A, %dma_wait3A_75] : memref<2x128x128xf32, #tpu.memory_space<vmem>> -> memref<1x128x128xf32, #tpu.memory_space<vmem>>
      %dma_wait3A_77 = tpu.memref_squeeze %dma_wait3A_76 : memref<1x128x128xf32, #tpu.memory_space<vmem>> -> memref<128x128xf32, #tpu.memory_space<vmem>>
      %dma_wait3A_78 = arith.constant 0 : i32
      %dma_wait3A_79 = tpu.memref_slice %arg7[%add3A_13, %dma_wait3A_78] : memref<10240x128xf32, #tpu.memory_space<vmem_shared>> -> memref<128x128xf32, #tpu.memory_space<vmem_shared>>
      %dma_wait3A_80 = arith.constant 0 : i32
      %dma_wait3A_81 = tpu.memref_slice %arg7[%add3A_13, %dma_wait3A_80] : memref<10240x128xf32, #tpu.memory_space<vmem_shared>> -> memref<128x128xf32, #tpu.memory_space<vmem_shared>>
      %dma_wait3A_82 = arith.constant 0 : i32
      %dma_wait3A_83 = arith.constant 0 : i32
      %dma_wait3A_84 = tpu.memref_slice %arg6[%run_scoped3A_14, %dma_wait3A_82, %dma_wait3A_83] : memref<2x128x128xf32, #tpu.memory_space<vmem>> -> memref<1x128x128xf32, #tpu.memory_space<vmem>>
      %dma_wait3A_85 = tpu.memref_squeeze %dma_wait3A_84 : memref<1x128x128xf32, #tpu.memory_space<vmem>> -> memref<128x128xf32, #tpu.memory_space<vmem>>
      tpu.wait_dma2 semaphore(%run_scoped3A_62 : memref<!tpu.dma_semaphore, #tpu.memory_space<semaphore_mem>>) src(%dma_wait3A_85 : memref<128x128xf32, #tpu.memory_space<vmem>>) dst(%dma_wait3A_81 : memref<128x128xf32, #tpu.memory_space<vmem_shared>>)
      tpu.yield
    }) : () -> ()
    %add3A_15 = arith.constant 256 : i32
    %add3A_16 = arith.addi %mul3A_2, %add3A_15 : i32
    %run_scoped3A_17 = arith.constant 0 : i32
    "tpu.region"() ({
      %run_scoped3A_62 = tpu.sem_alloc : memref<!tpu.dma_semaphore, #tpu.memory_space<semaphore_mem>>
      %dma_start3A_63 = arith.constant 0 : i32
      %dma_start3A_64 = arith.constant 0 : i32
      %dma_start3A_65 = tpu.memref_slice %arg6[%run_scoped3A_17, %dma_start3A_63, %dma_start3A_64] : memref<2x128x128xf32, #tpu.memory_space<vmem>> -> memref<1x128x128xf32, #tpu.memory_space<vmem>>
      %dma_start3A_66 = tpu.memref_squeeze %dma_start3A_65 : memref<1x128x128xf32, #tpu.memory_space<vmem>> -> memref<128x128xf32, #tpu.memory_space<vmem>>
      %dma_start3A_67 = arith.constant 0 : i32
      %dma_start3A_68 = tpu.memref_slice %arg7[%add3A_16, %dma_start3A_67] : memref<10240x128xf32, #tpu.memory_space<vmem_shared>> -> memref<128x128xf32, #tpu.memory_space<vmem_shared>>
      %dma_start3A_69 = arith.constant 0 : i32
      %dma_start3A_70 = tpu.memref_slice %arg7[%add3A_16, %dma_start3A_69] : memref<10240x128xf32, #tpu.memory_space<vmem_shared>> -> memref<128x128xf32, #tpu.memory_space<vmem_shared>>
      %dma_start3A_71 = arith.constant 0 : i32
      %dma_start3A_72 = arith.constant 0 : i32
      %dma_start3A_73 = tpu.memref_slice %arg6[%run_scoped3A_17, %dma_start3A_71, %dma_start3A_72] : memref<2x128x128xf32, #tpu.memory_space<vmem>> -> memref<1x128x128xf32, #tpu.memory_space<vmem>>
      %dma_start3A_74 = tpu.memref_squeeze %dma_start3A_73 : memref<1x128x128xf32, #tpu.memory_space<vmem>> -> memref<128x128xf32, #tpu.memory_space<vmem>>
      tpu.enqueue_dma source(%dma_start3A_74 : memref<128x128xf32, #tpu.memory_space<vmem>>) target(%dma_start3A_70 : memref<128x128xf32, #tpu.memory_space<vmem_shared>>) target_semaphore(%run_scoped3A_62 : memref<!tpu.dma_semaphore, #tpu.memory_space<semaphore_mem>>)
      %dma_wait3A = arith.constant 0 : i32
      %dma_wait3A_75 = arith.constant 0 : i32
      %dma_wait3A_76 = tpu.memref_slice %arg6[%run_scoped3A_17, %dma_wait3A, %dma_wait3A_75] : memref<2x128x128xf32, #tpu.memory_space<vmem>> -> memref<1x128x128xf32, #tpu.memory_space<vmem>>
      %dma_wait3A_77 = tpu.memref_squeeze %dma_wait3A_76 : memref<1x128x128xf32, #tpu.memory_space<vmem>> -> memref<128x128xf32, #tpu.memory_space<vmem>>
      %dma_wait3A_78 = arith.constant 0 : i32
      %dma_wait3A_79 = tpu.memref_slice %arg7[%add3A_16, %dma_wait3A_78] : memref<10240x128xf32, #tpu.memory_space<vmem_shared>> -> memref<128x128xf32, #tpu.memory_space<vmem_shared>>
      %dma_wait3A_80 = arith.constant 0 : i32
      %dma_wait3A_81 = tpu.memref_slice %arg7[%add3A_16, %dma_wait3A_80] : memref<10240x128xf32, #tpu.memory_space<vmem_shared>> -> memref<128x128xf32, #tpu.memory_space<vmem_shared>>
      %dma_wait3A_82 = arith.constant 0 : i32
      %dma_wait3A_83 = arith.constant 0 : i32
      %dma_wait3A_84 = tpu.memref_slice %arg6[%run_scoped3A_17, %dma_wait3A_82, %dma_wait3A_83] : memref<2x128x128xf32, #tpu.memory_space<vmem>> -> memref<1x128x128xf32, #tpu.memory_space<vmem>>
      %dma_wait3A_85 = tpu.memref_squeeze %dma_wait3A_84 : memref<1x128x128xf32, #tpu.memory_space<vmem>> -> memref<128x128xf32, #tpu.memory_space<vmem>>
      tpu.wait_dma2 semaphore(%run_scoped3A_62 : memref<!tpu.dma_semaphore, #tpu.memory_space<semaphore_mem>>) src(%dma_wait3A_85 : memref<128x128xf32, #tpu.memory_space<vmem>>) dst(%dma_wait3A_81 : memref<128x128xf32, #tpu.memory_space<vmem_shared>>)
      tpu.yield
    }) : () -> ()
    %add3A_18 = arith.constant 384 : i32
    %add3A_19 = arith.addi %mul3A_2, %add3A_18 : i32
    %run_scoped3A_20 = arith.constant 0 : i32
    "tpu.region"() ({
      %run_scoped3A_62 = tpu.sem_alloc : memref<!tpu.dma_semaphore, #tpu.memory_space<semaphore_mem>>
      %dma_start3A_63 = arith.constant 0 : i32
      %dma_start3A_64 = arith.constant 0 : i32
      %dma_start3A_65 = tpu.memref_slice %arg6[%run_scoped3A_20, %dma_start3A_63, %dma_start3A_64] : memref<2x128x128xf32, #tpu.memory_space<vmem>> -> memref<1x128x128xf32, #tpu.memory_space<vmem>>
      %dma_start3A_66 = tpu.memref_squeeze %dma_start3A_65 : memref<1x128x128xf32, #tpu.memory_space<vmem>> -> memref<128x128xf32, #tpu.memory_space<vmem>>
      %dma_start3A_67 = arith.constant 0 : i32
      %dma_start3A_68 = tpu.memref_slice %arg7[%add3A_19, %dma_start3A_67] : memref<10240x128xf32, #tpu.memory_space<vmem_shared>> -> memref<128x128xf32, #tpu.memory_space<vmem_shared>>
      %dma_start3A_69 = arith.constant 0 : i32
      %dma_start3A_70 = tpu.memref_slice %arg7[%add3A_19, %dma_start3A_69] : memref<10240x128xf32, #tpu.memory_space<vmem_shared>> -> memref<128x128xf32, #tpu.memory_space<vmem_shared>>
      %dma_start3A_71 = arith.constant 0 : i32
      %dma_start3A_72 = arith.constant 0 : i32
      %dma_start3A_73 = tpu.memref_slice %arg6[%run_scoped3A_20, %dma_start3A_71, %dma_start3A_72] : memref<2x128x128xf32, #tpu.memory_space<vmem>> -> memref<1x128x128xf32, #tpu.memory_space<vmem>>
      %dma_start3A_74 = tpu.memref_squeeze %dma_start3A_73 : memref<1x128x128xf32, #tpu.memory_space<vmem>> -> memref<128x128xf32, #tpu.memory_space<vmem>>
      tpu.enqueue_dma source(%dma_start3A_74 : memref<128x128xf32, #tpu.memory_space<vmem>>) target(%dma_start3A_70 : memref<128x128xf32, #tpu.memory_space<vmem_shared>>) target_semaphore(%run_scoped3A_62 : memref<!tpu.dma_semaphore, #tpu.memory_space<semaphore_mem>>)
      %dma_wait3A = arith.constant 0 : i32
      %dma_wait3A_75 = arith.constant 0 : i32
      %dma_wait3A_76 = tpu.memref_slice %arg6[%run_scoped3A_20, %dma_wait3A, %dma_wait3A_75] : memref<2x128x128xf32, #tpu.memory_space<vmem>> -> memref<1x128x128xf32, #tpu.memory_space<vmem>>
      %dma_wait3A_77 = tpu.memref_squeeze %dma_wait3A_76 : memref<1x128x128xf32, #tpu.memory_space<vmem>> -> memref<128x128xf32, #tpu.memory_space<vmem>>
      %dma_wait3A_78 = arith.constant 0 : i32
      %dma_wait3A_79 = tpu.memref_slice %arg7[%add3A_19, %dma_wait3A_78] : memref<10240x128xf32, #tpu.memory_space<vmem_shared>> -> memref<128x128xf32, #tpu.memory_space<vmem_shared>>
      %dma_wait3A_80 = arith.constant 0 : i32
      %dma_wait3A_81 = tpu.memref_slice %arg7[%add3A_19, %dma_wait3A_80] : memref<10240x128xf32, #tpu.memory_space<vmem_shared>> -> memref<128x128xf32, #tpu.memory_space<vmem_shared>>
      %dma_wait3A_82 = arith.constant 0 : i32
      %dma_wait3A_83 = arith.constant 0 : i32
      %dma_wait3A_84 = tpu.memref_slice %arg6[%run_scoped3A_20, %dma_wait3A_82, %dma_wait3A_83] : memref<2x128x128xf32, #tpu.memory_space<vmem>> -> memref<1x128x128xf32, #tpu.memory_space<vmem>>
      %dma_wait3A_85 = tpu.memref_squeeze %dma_wait3A_84 : memref<1x128x128xf32, #tpu.memory_space<vmem>> -> memref<128x128xf32, #tpu.memory_space<vmem>>
      tpu.wait_dma2 semaphore(%run_scoped3A_62 : memref<!tpu.dma_semaphore, #tpu.memory_space<semaphore_mem>>) src(%dma_wait3A_85 : memref<128x128xf32, #tpu.memory_space<vmem>>) dst(%dma_wait3A_81 : memref<128x128xf32, #tpu.memory_space<vmem_shared>>)
      tpu.yield
    }) : () -> ()
    %add3A_21 = arith.constant 512 : i32
    %add3A_22 = arith.addi %mul3A_2, %add3A_21 : i32
    %run_scoped3A_23 = arith.constant 0 : i32
    "tpu.region"() ({
      %run_scoped3A_62 = tpu.sem_alloc : memref<!tpu.dma_semaphore, #tpu.memory_space<semaphore_mem>>
      %dma_start3A_63 = arith.constant 0 : i32
      %dma_start3A_64 = arith.constant 0 : i32
      %dma_start3A_65 = tpu.memref_slice %arg6[%run_scoped3A_23, %dma_start3A_63, %dma_start3A_64] : memref<2x128x128xf32, #tpu.memory_space<vmem>> -> memref<1x128x128xf32, #tpu.memory_space<vmem>>
      %dma_start3A_66 = tpu.memref_squeeze %dma_start3A_65 : memref<1x128x128xf32, #tpu.memory_space<vmem>> -> memref<128x128xf32, #tpu.memory_space<vmem>>
      %dma_start3A_67 = arith.constant 0 : i32
      %dma_start3A_68 = tpu.memref_slice %arg7[%add3A_22, %dma_start3A_67] : memref<10240x128xf32, #tpu.memory_space<vmem_shared>> -> memref<128x128xf32, #tpu.memory_space<vmem_shared>>
      %dma_start3A_69 = arith.constant 0 : i32
      %dma_start3A_70 = tpu.memref_slice %arg7[%add3A_22, %dma_start3A_69] : memref<10240x128xf32, #tpu.memory_space<vmem_shared>> -> memref<128x128xf32, #tpu.memory_space<vmem_shared>>
      %dma_start3A_71 = arith.constant 0 : i32
      %dma_start3A_72 = arith.constant 0 : i32
      %dma_start3A_73 = tpu.memref_slice %arg6[%run_scoped3A_23, %dma_start3A_71, %dma_start3A_72] : memref<2x128x128xf32, #tpu.memory_space<vmem>> -> memref<1x128x128xf32, #tpu.memory_space<vmem>>
      %dma_start3A_74 = tpu.memref_squeeze %dma_start3A_73 : memref<1x128x128xf32, #tpu.memory_space<vmem>> -> memref<128x128xf32, #tpu.memory_space<vmem>>
      tpu.enqueue_dma source(%dma_start3A_74 : memref<128x128xf32, #tpu.memory_space<vmem>>) target(%dma_start3A_70 : memref<128x128xf32, #tpu.memory_space<vmem_shared>>) target_semaphore(%run_scoped3A_62 : memref<!tpu.dma_semaphore, #tpu.memory_space<semaphore_mem>>)
      %dma_wait3A = arith.constant 0 : i32
      %dma_wait3A_75 = arith.constant 0 : i32
      %dma_wait3A_76 = tpu.memref_slice %arg6[%run_scoped3A_23, %dma_wait3A, %dma_wait3A_75] : memref<2x128x128xf32, #tpu.memory_space<vmem>> -> memref<1x128x128xf32, #tpu.memory_space<vmem>>
      %dma_wait3A_77 = tpu.memref_squeeze %dma_wait3A_76 : memref<1x128x128xf32, #tpu.memory_space<vmem>> -> memref<128x128xf32, #tpu.memory_space<vmem>>
      %dma_wait3A_78 = arith.constant 0 : i32
      %dma_wait3A_79 = tpu.memref_slice %arg7[%add3A_22, %dma_wait3A_78] : memref<10240x128xf32, #tpu.memory_space<vmem_shared>> -> memref<128x128xf32, #tpu.memory_space<vmem_shared>>
      %dma_wait3A_80 = arith.constant 0 : i32
      %dma_wait3A_81 = tpu.memref_slice %arg7[%add3A_22, %dma_wait3A_80] : memref<10240x128xf32, #tpu.memory_space<vmem_shared>> -> memref<128x128xf32, #tpu.memory_space<vmem_shared>>
      %dma_wait3A_82 = arith.constant 0 : i32
      %dma_wait3A_83 = arith.constant 0 : i32
      %dma_wait3A_84 = tpu.memref_slice %arg6[%run_scoped3A_23, %dma_wait3A_82, %dma_wait3A_83] : memref<2x128x128xf32, #tpu.memory_space<vmem>> -> memref<1x128x128xf32, #tpu.memory_space<vmem>>
      %dma_wait3A_85 = tpu.memref_squeeze %dma_wait3A_84 : memref<1x128x128xf32, #tpu.memory_space<vmem>> -> memref<128x128xf32, #tpu.memory_space<vmem>>
      tpu.wait_dma2 semaphore(%run_scoped3A_62 : memref<!tpu.dma_semaphore, #tpu.memory_space<semaphore_mem>>) src(%dma_wait3A_85 : memref<128x128xf32, #tpu.memory_space<vmem>>) dst(%dma_wait3A_81 : memref<128x128xf32, #tpu.memory_space<vmem_shared>>)
      tpu.yield
    }) : () -> ()
    %run_scoped3A_24 = arith.constant 0 : i32
    %run_scoped3A_25 = arith.constant 0 : i32
    "tpu.region"() ({
      %run_scoped3A_62 = tpu.sem_alloc : memref<!tpu.dma_semaphore, #tpu.memory_space<semaphore_mem>>
      %dma_start3A_63 = arith.constant 0 : i32
      %dma_start3A_64 = arith.constant 0 : i32
      %dma_start3A_65 = arith.constant 0 : i32
      %dma_start3A_66 = tpu.memref_slice %arg5[%run_scoped3A_25, %dma_start3A_63, %dma_start3A_64, %dma_start3A_65] : memref<2x8x2x128xi32, #tpu.memory_space<vmem>> -> memref<1x8x2x128xi32, #tpu.memory_space<vmem>>
      %dma_start3A_67 = tpu.memref_squeeze %dma_start3A_66 : memref<1x8x2x128xi32, #tpu.memory_space<vmem>> -> memref<8x2x128xi32, #tpu.memory_space<vmem>>
      %dma_start3A_68 = arith.constant 0 : i32
      %dma_start3A_69 = arith.constant 0 : i32
      %dma_start3A_70 = arith.constant 0 : i32
      %dma_start3A_71 = tpu.memref_slice %arg3[%add3A, %run_scoped3A_24, %dma_start3A_68, %dma_start3A_69, %dma_start3A_70] : memref<32x10x8x2x128xi32, #tpu.memory_space<hbm>> -> memref<1x1x8x2x128xi32, #tpu.memory_space<hbm>>
      %dma_start3A_72 = tpu.memref_squeeze %dma_start3A_71 : memref<1x1x8x2x128xi32, #tpu.memory_space<hbm>> -> memref<8x2x128xi32, #tpu.memory_space<hbm>>
      %dma_start3A_73 = arith.constant 0 : i32
      %dma_start3A_74 = arith.constant 0 : i32
      %dma_start3A_75 = arith.constant 0 : i32
      %dma_start3A_76 = tpu.memref_slice %arg5[%run_scoped3A_25, %dma_start3A_73, %dma_start3A_74, %dma_start3A_75] : memref<2x8x2x128xi32, #tpu.memory_space<vmem>> -> memref<1x8x2x128xi32, #tpu.memory_space<vmem>>
      %dma_start3A_77 = tpu.memref_squeeze %dma_start3A_76 : memref<1x8x2x128xi32, #tpu.memory_space<vmem>> -> memref<8x2x128xi32, #tpu.memory_space<vmem>>
      %dma_start3A_78 = arith.constant 0 : i32
      %dma_start3A_79 = arith.constant 0 : i32
      %dma_start3A_80 = arith.constant 0 : i32
      %dma_start3A_81 = tpu.memref_slice %arg3[%add3A, %run_scoped3A_24, %dma_start3A_78, %dma_start3A_79, %dma_start3A_80] : memref<32x10x8x2x128xi32, #tpu.memory_space<hbm>> -> memref<1x1x8x2x128xi32, #tpu.memory_space<hbm>>
      %dma_start3A_82 = tpu.memref_squeeze %dma_start3A_81 : memref<1x1x8x2x128xi32, #tpu.memory_space<hbm>> -> memref<8x2x128xi32, #tpu.memory_space<hbm>>
      tpu.enqueue_dma source(%dma_start3A_82 : memref<8x2x128xi32, #tpu.memory_space<hbm>>) target(%dma_start3A_77 : memref<8x2x128xi32, #tpu.memory_space<vmem>>) target_semaphore(%run_scoped3A_62 : memref<!tpu.dma_semaphore, #tpu.memory_space<semaphore_mem>>)
      %dma_wait3A = arith.constant 0 : i32
      %dma_wait3A_83 = arith.constant 0 : i32
      %dma_wait3A_84 = arith.constant 0 : i32
      %dma_wait3A_85 = tpu.memref_slice %arg5[%run_scoped3A_25, %dma_wait3A, %dma_wait3A_83, %dma_wait3A_84] : memref<2x8x2x128xi32, #tpu.memory_space<vmem>> -> memref<1x8x2x128xi32, #tpu.memory_space<vmem>>
      %dma_wait3A_86 = tpu.memref_squeeze %dma_wait3A_85 : memref<1x8x2x128xi32, #tpu.memory_space<vmem>> -> memref<8x2x128xi32, #tpu.memory_space<vmem>>
      %dma_wait3A_87 = arith.constant 0 : i32
      %dma_wait3A_88 = arith.constant 0 : i32
      %dma_wait3A_89 = arith.constant 0 : i32
      %dma_wait3A_90 = tpu.memref_slice %arg3[%add3A, %run_scoped3A_24, %dma_wait3A_87, %dma_wait3A_88, %dma_wait3A_89] : memref<32x10x8x2x128xi32, #tpu.memory_space<hbm>> -> memref<1x1x8x2x128xi32, #tpu.memory_space<hbm>>
      %dma_wait3A_91 = tpu.memref_squeeze %dma_wait3A_90 : memref<1x1x8x2x128xi32, #tpu.memory_space<hbm>> -> memref<8x2x128xi32, #tpu.memory_space<hbm>>
      %dma_wait3A_92 = arith.constant 0 : i32
      %dma_wait3A_93 = arith.constant 0 : i32
      %dma_wait3A_94 = arith.constant 0 : i32
      %dma_wait3A_95 = tpu.memref_slice %arg5[%run_scoped3A_25, %dma_wait3A_92, %dma_wait3A_93, %dma_wait3A_94] : memref<2x8x2x128xi32, #tpu.memory_space<vmem>> -> memref<1x8x2x128xi32, #tpu.memory_space<vmem>>
      %dma_wait3A_96 = tpu.memref_squeeze %dma_wait3A_95 : memref<1x8x2x128xi32, #tpu.memory_space<vmem>> -> memref<8x2x128xi32, #tpu.memory_space<vmem>>
      %dma_wait3A_97 = arith.constant 0 : i32
      %dma_wait3A_98 = arith.constant 0 : i32
      %dma_wait3A_99 = arith.constant 0 : i32
      %dma_wait3A_100 = tpu.memref_slice %arg3[%add3A, %run_scoped3A_24, %dma_wait3A_97, %dma_wait3A_98, %dma_wait3A_99] : memref<32x10x8x2x128xi32, #tpu.memory_space<hbm>> -> memref<1x1x8x2x128xi32, #tpu.memory_space<hbm>>
      %dma_wait3A_101 = tpu.memref_squeeze %dma_wait3A_100 : memref<1x1x8x2x128xi32, #tpu.memory_space<hbm>> -> memref<8x2x128xi32, #tpu.memory_space<hbm>>
      tpu.wait_dma2 semaphore(%run_scoped3A_62 : memref<!tpu.dma_semaphore, #tpu.memory_space<semaphore_mem>>) src(%dma_wait3A_101 : memref<8x2x128xi32, #tpu.memory_space<hbm>>) dst(%dma_wait3A_96 : memref<8x2x128xi32, #tpu.memory_space<vmem>>)
      tpu.yield
    }) : () -> ()
    %barrier3A = arith.constant 0 : index
    tpu.barrier barrier_id(%barrier3A)
    %broadcast_in_dim3A_26 = arith.constant 1.000000e+00 : f32
    %broadcast_in_dim3A_27 = vector.broadcast %broadcast_in_dim3A_26 : f32 to vector<16xf32>
    %dma_start3A = arith.constant 0 : i32
    %dma_start3A_28 = arith.constant 0 : i32
    %dma_start3A_29 = arith.constant 0 : i32
    %dma_start3A_30 = arith.constant 0 : i32
    %dma_start3A_31 = arith.constant 0 : i32
    %dma_start3A_32 = arith.constant 0 : i32
    %dma_start3A_33 = tpu.memref_slice %arg6[%dma_start3A_30, %dma_start3A_31, %dma_start3A_32] : memref<2x128x128xf32, #tpu.memory_space<vmem>> -> memref<1x128x128xf32, #tpu.memory_space<vmem>>
    %dma_start3A_34 = tpu.memref_squeeze %dma_start3A_33 : memref<1x128x128xf32, #tpu.memory_space<vmem>> -> memref<128x128xf32, #tpu.memory_space<vmem>>
    %dma_start3A_35 = arith.constant 0 : i32
    %dma_start3A_36 = tpu.memref_slice %arg5[%dma_start3A, %dma_start3A_28, %dma_start3A_29, %dma_start3A_35] : memref<2x8x2x128xi32, #tpu.memory_space<vmem>> -> memref<1x1x1x128xi32, #tpu.memory_space<vmem>>
    %dma_start3A_37 = tpu.memref_squeeze %dma_start3A_36 : memref<1x1x1x128xi32, #tpu.memory_space<vmem>> -> memref<128xi32, #tpu.memory_space<vmem>>
    %dma_start3A_38 = arith.constant 0 : i32
    %dma_start3A_39 = arith.constant 0 : i32
    %dma_start3A_40 = tpu.memref_slice %arg2[%dma_start3A_38, %dma_start3A_39] : memref<10240x128xf32, #tpu.memory_space<hbm>> -> memref<10240x128xf32, #tpu.memory_space<hbm>>
    tpu.enqueue_indirect_dma source(%dma_start3A_40 : memref<10240x128xf32, #tpu.memory_space<hbm>>) target(%dma_start3A_34 : memref<128x128xf32, #tpu.memory_space<vmem>>) offsets(%dma_start3A_37 : memref<128xi32, #tpu.memory_space<vmem>>) semaphore(%arg8 : memref<!tpu.dma_semaphore, #tpu.memory_space<semaphore_mem>>)
    %dma_start3A_41 = arith.constant 0 : i32
    %dma_start3A_42 = arith.constant 1 : i32
    %dma_start3A_43 = arith.constant 0 : i32
    %dma_start3A_44 = arith.constant 1 : i32
    %dma_start3A_45 = arith.constant 0 : i32
    %dma_start3A_46 = arith.constant 0 : i32
    %dma_start3A_47 = tpu.memref_slice %arg6[%dma_start3A_44, %dma_start3A_45, %dma_start3A_46] : memref<2x128x128xf32, #tpu.memory_space<vmem>> -> memref<1x128x128xf32, #tpu.memory_space<vmem>>
    %dma_start3A_48 = tpu.memref_squeeze %dma_start3A_47 : memref<1x128x128xf32, #tpu.memory_space<vmem>> -> memref<128x128xf32, #tpu.memory_space<vmem>>
    %dma_start3A_49 = arith.constant 0 : i32
    %dma_start3A_50 = tpu.memref_slice %arg5[%dma_start3A_41, %dma_start3A_42, %dma_start3A_43, %dma_start3A_49] : memref<2x8x2x128xi32, #tpu.memory_space<vmem>> -> memref<1x1x1x128xi32, #tpu.memory_space<vmem>>
    %dma_start3A_51 = tpu.memref_squeeze %dma_start3A_50 : memref<1x1x1x128xi32, #tpu.memory_space<vmem>> -> memref<128xi32, #tpu.memory_space<vmem>>
    %dma_start3A_52 = arith.constant 0 : i32
    %dma_start3A_53 = arith.constant 0 : i32
    %dma_start3A_54 = tpu.memref_slice %arg2[%dma_start3A_52, %dma_start3A_53] : memref<10240x128xf32, #tpu.memory_space<hbm>> -> memref<10240x128xf32, #tpu.memory_space<hbm>>
    tpu.enqueue_indirect_dma source(%dma_start3A_54 : memref<10240x128xf32, #tpu.memory_space<hbm>>) target(%dma_start3A_48 : memref<128x128xf32, #tpu.memory_space<vmem>>) offsets(%dma_start3A_51 : memref<128xi32, #tpu.memory_space<vmem>>) semaphore(%arg9 : memref<!tpu.dma_semaphore, #tpu.memory_space<semaphore_mem>>)
    %scan3A_55 = arith.constant 0 : i32
    %scan3A_56 = arith.constant 0 : i32
    %scan3A_57 = arith.constant 40 : i32
    %scan3A_58 = arith.addi %scan3A_56, %scan3A_57 : i32
    %scan3A_59 = arith.constant 1 : i32
    scf.for %scan3A_62 = %scan3A_56 to %scan3A_58 step %scan3A_59  : i32 {
      %mul3A_63 = arith.constant 2 : i32
      %mul3A_64 = arith.muli %mul3A_63, %scan3A_62 : i32
      %and3A = arith.constant 7 : i32
      %and3A_65 = arith.andi %mul3A_64, %and3A : i32
      %eq3A = arith.constant 6 : i32
      %eq3A_66 = arith.cmpi eq, %and3A_65, %eq3A : i32
      %add3A_67 = arith.constant 2 : i32
      %add3A_68 = arith.addi %mul3A_64, %add3A_67 : i32
      %lt3A = arith.constant 80 : i32
      %lt3A_69 = arith.cmpi slt, %add3A_68, %lt3A : i32
      %and3A_70 = arith.andi %eq3A_66, %lt3A_69 : i1
      %convert_element_type3A = arith.extui %and3A_70 : i1 to i32
      %cond3A = arith.constant 0 : i32
      %cond3A_71 = arith.cmpi ne, %convert_element_type3A, %cond3A : i32
      scf.if %cond3A_71 {
        %add3A_128 = arith.constant 2 : i32
        %add3A_129 = arith.addi %mul3A_64, %add3A_128 : i32
        %shift_right_logical3A_130 = arith.constant 3 : i32
        %shift_right_logical3A_131 = arith.shrui %add3A_129, %shift_right_logical3A_130 : i32
        %and3A_132 = arith.constant 1 : i32
        %and3A_133 = arith.andi %shift_right_logical3A_131, %and3A_132 : i32
        "tpu.region"() ({
          %run_scoped3A_134 = tpu.sem_alloc : memref<!tpu.dma_semaphore, #tpu.memory_space<semaphore_mem>>
          %dma_start3A_135 = arith.constant 0 : i32
          %dma_start3A_136 = arith.constant 0 : i32
          %dma_start3A_137 = arith.constant 0 : i32
          %dma_start3A_138 = tpu.memref_slice %arg5[%and3A_133, %dma_start3A_135, %dma_start3A_136, %dma_start3A_137] : memref<2x8x2x128xi32, #tpu.memory_space<vmem>> -> memref<1x8x2x128xi32, #tpu.memory_space<vmem>>
          %dma_start3A_139 = tpu.memref_squeeze %dma_start3A_138 : memref<1x8x2x128xi32, #tpu.memory_space<vmem>> -> memref<8x2x128xi32, #tpu.memory_space<vmem>>
          %dma_start3A_140 = arith.constant 0 : i32
          %dma_start3A_141 = arith.constant 0 : i32
          %dma_start3A_142 = arith.constant 0 : i32
          %dma_start3A_143 = tpu.memref_slice %arg3[%add3A, %shift_right_logical3A_131, %dma_start3A_140, %dma_start3A_141, %dma_start3A_142] : memref<32x10x8x2x128xi32, #tpu.memory_space<hbm>> -> memref<1x1x8x2x128xi32, #tpu.memory_space<hbm>>
          %dma_start3A_144 = tpu.memref_squeeze %dma_start3A_143 : memref<1x1x8x2x128xi32, #tpu.memory_space<hbm>> -> memref<8x2x128xi32, #tpu.memory_space<hbm>>
          %dma_start3A_145 = arith.constant 0 : i32
          %dma_start3A_146 = arith.constant 0 : i32
          %dma_start3A_147 = arith.constant 0 : i32
          %dma_start3A_148 = tpu.memref_slice %arg5[%and3A_133, %dma_start3A_145, %dma_start3A_146, %dma_start3A_147] : memref<2x8x2x128xi32, #tpu.memory_space<vmem>> -> memref<1x8x2x128xi32, #tpu.memory_space<vmem>>
          %dma_start3A_149 = tpu.memref_squeeze %dma_start3A_148 : memref<1x8x2x128xi32, #tpu.memory_space<vmem>> -> memref<8x2x128xi32, #tpu.memory_space<vmem>>
          %dma_start3A_150 = arith.constant 0 : i32
          %dma_start3A_151 = arith.constant 0 : i32
          %dma_start3A_152 = arith.constant 0 : i32
          %dma_start3A_153 = tpu.memref_slice %arg3[%add3A, %shift_right_logical3A_131, %dma_start3A_150, %dma_start3A_151, %dma_start3A_152] : memref<32x10x8x2x128xi32, #tpu.memory_space<hbm>> -> memref<1x1x8x2x128xi32, #tpu.memory_space<hbm>>
          %dma_start3A_154 = tpu.memref_squeeze %dma_start3A_153 : memref<1x1x8x2x128xi32, #tpu.memory_space<hbm>> -> memref<8x2x128xi32, #tpu.memory_space<hbm>>
          tpu.enqueue_dma source(%dma_start3A_154 : memref<8x2x128xi32, #tpu.memory_space<hbm>>) target(%dma_start3A_149 : memref<8x2x128xi32, #tpu.memory_space<vmem>>) target_semaphore(%run_scoped3A_134 : memref<!tpu.dma_semaphore, #tpu.memory_space<semaphore_mem>>)
          %dma_wait3A_155 = arith.constant 0 : i32
          %dma_wait3A_156 = arith.constant 0 : i32
          %dma_wait3A_157 = arith.constant 0 : i32
          %dma_wait3A_158 = tpu.memref_slice %arg5[%and3A_133, %dma_wait3A_155, %dma_wait3A_156, %dma_wait3A_157] : memref<2x8x2x128xi32, #tpu.memory_space<vmem>> -> memref<1x8x2x128xi32, #tpu.memory_space<vmem>>
          %dma_wait3A_159 = tpu.memref_squeeze %dma_wait3A_158 : memref<1x8x2x128xi32, #tpu.memory_space<vmem>> -> memref<8x2x128xi32, #tpu.memory_space<vmem>>
          %dma_wait3A_160 = arith.constant 0 : i32
          %dma_wait3A_161 = arith.constant 0 : i32
          %dma_wait3A_162 = arith.constant 0 : i32
          %dma_wait3A_163 = tpu.memref_slice %arg3[%add3A, %shift_right_logical3A_131, %dma_wait3A_160, %dma_wait3A_161, %dma_wait3A_162] : memref<32x10x8x2x128xi32, #tpu.memory_space<hbm>> -> memref<1x1x8x2x128xi32, #tpu.memory_space<hbm>>
          %dma_wait3A_164 = tpu.memref_squeeze %dma_wait3A_163 : memref<1x1x8x2x128xi32, #tpu.memory_space<hbm>> -> memref<8x2x128xi32, #tpu.memory_space<hbm>>
          %dma_wait3A_165 = arith.constant 0 : i32
          %dma_wait3A_166 = arith.constant 0 : i32
          %dma_wait3A_167 = arith.constant 0 : i32
          %dma_wait3A_168 = tpu.memref_slice %arg5[%and3A_133, %dma_wait3A_165, %dma_wait3A_166, %dma_wait3A_167] : memref<2x8x2x128xi32, #tpu.memory_space<vmem>> -> memref<1x8x2x128xi32, #tpu.memory_space<vmem>>
          %dma_wait3A_169 = tpu.memref_squeeze %dma_wait3A_168 : memref<1x8x2x128xi32, #tpu.memory_space<vmem>> -> memref<8x2x128xi32, #tpu.memory_space<vmem>>
          %dma_wait3A_170 = arith.constant 0 : i32
          %dma_wait3A_171 = arith.constant 0 : i32
          %dma_wait3A_172 = arith.constant 0 : i32
          %dma_wait3A_173 = tpu.memref_slice %arg3[%add3A, %shift_right_logical3A_131, %dma_wait3A_170, %dma_wait3A_171, %dma_wait3A_172] : memref<32x10x8x2x128xi32, #tpu.memory_space<hbm>> -> memref<1x1x8x2x128xi32, #tpu.memory_space<hbm>>
          %dma_wait3A_174 = tpu.memref_squeeze %dma_wait3A_173 : memref<1x1x8x2x128xi32, #tpu.memory_space<hbm>> -> memref<8x2x128xi32, #tpu.memory_space<hbm>>
          tpu.wait_dma2 semaphore(%run_scoped3A_134 : memref<!tpu.dma_semaphore, #tpu.memory_space<semaphore_mem>>) src(%dma_wait3A_174 : memref<8x2x128xi32, #tpu.memory_space<hbm>>) dst(%dma_wait3A_169 : memref<8x2x128xi32, #tpu.memory_space<vmem>>)
          tpu.yield
        }) : () -> ()
      } else {
      }
      %shift_right_logical3A = arith.constant 3 : i32
      %shift_right_logical3A_72 = arith.shrui %mul3A_64, %shift_right_logical3A : i32
      %and3A_73 = arith.constant 1 : i32
      %and3A_74 = arith.andi %shift_right_logical3A_72, %and3A_73 : i32
      %and3A_75 = arith.constant 7 : i32
      %and3A_76 = arith.andi %mul3A_64, %and3A_75 : i32
      %dma_wait3A = arith.constant 0 : i32
      %dma_wait3A_77 = arith.constant 0 : i32
      %dma_wait3A_78 = arith.constant 0 : i32
      %dma_wait3A_79 = arith.constant 0 : i32
      %dma_wait3A_80 = tpu.memref_slice %arg6[%dma_wait3A_77, %dma_wait3A_78, %dma_wait3A_79] : memref<2x128x128xf32, #tpu.memory_space<vmem>> -> memref<1x128x128xf32, #tpu.memory_space<vmem>>
      %dma_wait3A_81 = tpu.memref_squeeze %dma_wait3A_80 : memref<1x128x128xf32, #tpu.memory_space<vmem>> -> memref<128x128xf32, #tpu.memory_space<vmem>>
      %dma_wait3A_82 = arith.constant 0 : i32
      %dma_wait3A_83 = tpu.memref_slice %arg5[%and3A_74, %and3A_76, %dma_wait3A, %dma_wait3A_82] : memref<2x8x2x128xi32, #tpu.memory_space<vmem>> -> memref<1x1x1x128xi32, #tpu.memory_space<vmem>>
      %dma_wait3A_84 = tpu.memref_squeeze %dma_wait3A_83 : memref<1x1x1x128xi32, #tpu.memory_space<vmem>> -> memref<128xi32, #tpu.memory_space<vmem>>
      %dma_wait3A_85 = arith.constant 0 : i32
      %dma_wait3A_86 = arith.constant 0 : i32
      %dma_wait3A_87 = tpu.memref_slice %arg2[%dma_wait3A_85, %dma_wait3A_86] : memref<10240x128xf32, #tpu.memory_space<hbm>> -> memref<10240x128xf32, #tpu.memory_space<hbm>>
      tpu.wait_indirect_dma semaphore(%arg8 : memref<!tpu.dma_semaphore, #tpu.memory_space<semaphore_mem>>) src(%dma_wait3A_87 : memref<10240x128xf32, #tpu.memory_space<hbm>>) dst(%dma_wait3A_81 : memref<128x128xf32, #tpu.memory_space<vmem>>)
      %run_scoped3A_88 = arith.constant 0 : i32
      %run_scoped3A_89 = arith.constant 1 : i32
      "tpu.region"() ({
        %run_scoped3A_128 = tpu.sem_alloc : memref<!tpu.dma_semaphore, #tpu.memory_space<semaphore_mem>>
        %dma_start3A_129 = arith.constant 0 : i32
        %dma_start3A_130 = arith.constant 0 : i32
        %dma_start3A_131 = tpu.memref_slice %arg6[%run_scoped3A_88, %dma_start3A_129, %dma_start3A_130] : memref<2x128x128xf32, #tpu.memory_space<vmem>> -> memref<1x128x128xf32, #tpu.memory_space<vmem>>
        %dma_start3A_132 = tpu.memref_squeeze %dma_start3A_131 : memref<1x128x128xf32, #tpu.memory_space<vmem>> -> memref<128x128xf32, #tpu.memory_space<vmem>>
        %dma_start3A_133 = arith.constant 0 : i32
        %dma_start3A_134 = tpu.memref_slice %arg5[%and3A_74, %and3A_76, %run_scoped3A_89, %dma_start3A_133] : memref<2x8x2x128xi32, #tpu.memory_space<vmem>> -> memref<1x1x1x128xi32, #tpu.memory_space<vmem>>
        %dma_start3A_135 = tpu.memref_squeeze %dma_start3A_134 : memref<1x1x1x128xi32, #tpu.memory_space<vmem>> -> memref<128xi32, #tpu.memory_space<vmem>>
        %dma_start3A_136 = arith.constant 0 : i32
        %dma_start3A_137 = arith.constant 0 : i32
        %dma_start3A_138 = tpu.memref_slice %arg7[%dma_start3A_136, %dma_start3A_137] : memref<10240x128xf32, #tpu.memory_space<vmem_shared>> -> memref<10240x128xf32, #tpu.memory_space<vmem_shared>>
        tpu.enqueue_indirect_dma source(%dma_start3A_132 : memref<128x128xf32, #tpu.memory_space<vmem>>) target(%dma_start3A_138 : memref<10240x128xf32, #tpu.memory_space<vmem_shared>>) offsets(%dma_start3A_135 : memref<128xi32, #tpu.memory_space<vmem>>) semaphore(%run_scoped3A_128 : memref<!tpu.dma_semaphore, #tpu.memory_space<semaphore_mem>>) {add = true}
        %dma_wait3A_139 = arith.constant 0 : i32
        %dma_wait3A_140 = arith.constant 0 : i32
        %dma_wait3A_141 = tpu.memref_slice %arg6[%run_scoped3A_88, %dma_wait3A_139, %dma_wait3A_140] : memref<2x128x128xf32, #tpu.memory_space<vmem>> -> memref<1x128x128xf32, #tpu.memory_space<vmem>>
        %dma_wait3A_142 = tpu.memref_squeeze %dma_wait3A_141 : memref<1x128x128xf32, #tpu.memory_space<vmem>> -> memref<128x128xf32, #tpu.memory_space<vmem>>
        %dma_wait3A_143 = arith.constant 0 : i32
        %dma_wait3A_144 = tpu.memref_slice %arg5[%and3A_74, %and3A_76, %run_scoped3A_89, %dma_wait3A_143] : memref<2x8x2x128xi32, #tpu.memory_space<vmem>> -> memref<1x1x1x128xi32, #tpu.memory_space<vmem>>
        %dma_wait3A_145 = tpu.memref_squeeze %dma_wait3A_144 : memref<1x1x1x128xi32, #tpu.memory_space<vmem>> -> memref<128xi32, #tpu.memory_space<vmem>>
        %dma_wait3A_146 = arith.constant 0 : i32
        %dma_wait3A_147 = arith.constant 0 : i32
        %dma_wait3A_148 = tpu.memref_slice %arg7[%dma_wait3A_146, %dma_wait3A_147] : memref<10240x128xf32, #tpu.memory_space<vmem_shared>> -> memref<10240x128xf32, #tpu.memory_space<vmem_shared>>
        tpu.wait_indirect_dma semaphore(%run_scoped3A_128 : memref<!tpu.dma_semaphore, #tpu.memory_space<semaphore_mem>>) src(%dma_wait3A_142 : memref<128x128xf32, #tpu.memory_space<vmem>>) dst(%dma_wait3A_148 : memref<10240x128xf32, #tpu.memory_space<vmem_shared>>)
        tpu.yield
      }) : () -> ()
      %add3A_90 = arith.constant 2 : i32
      %add3A_91 = arith.addi %mul3A_64, %add3A_90 : i32
      %lt3A_92 = arith.constant 80 : i32
      %lt3A_93 = arith.cmpi slt, %add3A_91, %lt3A_92 : i32
      %convert_element_type3A_94 = arith.extui %lt3A_93 : i1 to i32
      %cond3A_95 = arith.constant 0 : i32
      %cond3A_96 = arith.constant 0 : i32
      %cond3A_97 = arith.cmpi ne, %convert_element_type3A_94, %cond3A_96 : i32
      scf.if %cond3A_97 {
        %add3A_128 = arith.constant 2 : i32
        %add3A_129 = arith.addi %mul3A_64, %add3A_128 : i32
        %shift_right_logical3A_130 = arith.constant 3 : i32
        %shift_right_logical3A_131 = arith.shrui %add3A_129, %shift_right_logical3A_130 : i32
        %and3A_132 = arith.constant 1 : i32
        %and3A_133 = arith.andi %shift_right_logical3A_131, %and3A_132 : i32
        %add3A_134 = arith.constant 2 : i32
        %add3A_135 = arith.addi %mul3A_64, %add3A_134 : i32
        %and3A_136 = arith.constant 7 : i32
        %and3A_137 = arith.andi %add3A_135, %and3A_136 : i32
        %dma_start3A_138 = arith.constant 0 : i32
        %dma_start3A_139 = arith.constant 0 : i32
        %dma_start3A_140 = arith.constant 0 : i32
        %dma_start3A_141 = tpu.memref_slice %arg6[%cond3A_95, %dma_start3A_139, %dma_start3A_140] : memref<2x128x128xf32, #tpu.memory_space<vmem>> -> memref<1x128x128xf32, #tpu.memory_space<vmem>>
        %dma_start3A_142 = tpu.memref_squeeze %dma_start3A_141 : memref<1x128x128xf32, #tpu.memory_space<vmem>> -> memref<128x128xf32, #tpu.memory_space<vmem>>
        %dma_start3A_143 = arith.constant 0 : i32
        %dma_start3A_144 = tpu.memref_slice %arg5[%and3A_133, %and3A_137, %dma_start3A_138, %dma_start3A_143] : memref<2x8x2x128xi32, #tpu.memory_space<vmem>> -> memref<1x1x1x128xi32, #tpu.memory_space<vmem>>
        %dma_start3A_145 = tpu.memref_squeeze %dma_start3A_144 : memref<1x1x1x128xi32, #tpu.memory_space<vmem>> -> memref<128xi32, #tpu.memory_space<vmem>>
        %dma_start3A_146 = arith.constant 0 : i32
        %dma_start3A_147 = arith.constant 0 : i32
        %dma_start3A_148 = tpu.memref_slice %arg2[%dma_start3A_146, %dma_start3A_147] : memref<10240x128xf32, #tpu.memory_space<hbm>> -> memref<10240x128xf32, #tpu.memory_space<hbm>>
        tpu.enqueue_indirect_dma source(%dma_start3A_148 : memref<10240x128xf32, #tpu.memory_space<hbm>>) target(%dma_start3A_142 : memref<128x128xf32, #tpu.memory_space<vmem>>) offsets(%dma_start3A_145 : memref<128xi32, #tpu.memory_space<vmem>>) semaphore(%arg8 : memref<!tpu.dma_semaphore, #tpu.memory_space<semaphore_mem>>)
      } else {
      }
      %add3A_98 = arith.constant 1 : i32
      %add3A_99 = arith.addi %mul3A_64, %add3A_98 : i32
      %shift_right_logical3A_100 = arith.constant 3 : i32
      %shift_right_logical3A_101 = arith.shrui %add3A_99, %shift_right_logical3A_100 : i32
      %and3A_102 = arith.constant 1 : i32
      %and3A_103 = arith.andi %shift_right_logical3A_101, %and3A_102 : i32
      %and3A_104 = arith.constant 7 : i32
      %and3A_105 = arith.andi %add3A_99, %and3A_104 : i32
      %dma_wait3A_106 = arith.constant 0 : i32
      %dma_wait3A_107 = arith.constant 1 : i32
      %dma_wait3A_108 = arith.constant 0 : i32
      %dma_wait3A_109 = arith.constant 0 : i32
      %dma_wait3A_110 = tpu.memref_slice %arg6[%dma_wait3A_107, %dma_wait3A_108, %dma_wait3A_109] : memref<2x128x128xf32, #tpu.memory_space<vmem>> -> memref<1x128x128xf32, #tpu.memory_space<vmem>>
      %dma_wait3A_111 = tpu.memref_squeeze %dma_wait3A_110 : memref<1x128x128xf32, #tpu.memory_space<vmem>> -> memref<128x128xf32, #tpu.memory_space<vmem>>
      %dma_wait3A_112 = arith.constant 0 : i32
      %dma_wait3A_113 = tpu.memref_slice %arg5[%and3A_103, %and3A_105, %dma_wait3A_106, %dma_wait3A_112] : memref<2x8x2x128xi32, #tpu.memory_space<vmem>> -> memref<1x1x1x128xi32, #tpu.memory_space<vmem>>
      %dma_wait3A_114 = tpu.memref_squeeze %dma_wait3A_113 : memref<1x1x1x128xi32, #tpu.memory_space<vmem>> -> memref<128xi32, #tpu.memory_space<vmem>>
      %dma_wait3A_115 = arith.constant 0 : i32
      %dma_wait3A_116 = arith.constant 0 : i32
      %dma_wait3A_117 = tpu.memref_slice %arg2[%dma_wait3A_115, %dma_wait3A_116] : memref<10240x128xf32, #tpu.memory_space<hbm>> -> memref<10240x128xf32, #tpu.memory_space<hbm>>
      tpu.wait_indirect_dma semaphore(%arg9 : memref<!tpu.dma_semaphore, #tpu.memory_space<semaphore_mem>>) src(%dma_wait3A_117 : memref<10240x128xf32, #tpu.memory_space<hbm>>) dst(%dma_wait3A_111 : memref<128x128xf32, #tpu.memory_space<vmem>>)
      %run_scoped3A_118 = arith.constant 1 : i32
      %run_scoped3A_119 = arith.constant 1 : i32
      "tpu.region"() ({
        %run_scoped3A_128 = tpu.sem_alloc : memref<!tpu.dma_semaphore, #tpu.memory_space<semaphore_mem>>
        %dma_start3A_129 = arith.constant 0 : i32
        %dma_start3A_130 = arith.constant 0 : i32
        %dma_start3A_131 = tpu.memref_slice %arg6[%run_scoped3A_118, %dma_start3A_129, %dma_start3A_130] : memref<2x128x128xf32, #tpu.memory_space<vmem>> -> memref<1x128x128xf32, #tpu.memory_space<vmem>>
        %dma_start3A_132 = tpu.memref_squeeze %dma_start3A_131 : memref<1x128x128xf32, #tpu.memory_space<vmem>> -> memref<128x128xf32, #tpu.memory_space<vmem>>
        %dma_start3A_133 = arith.constant 0 : i32
        %dma_start3A_134 = tpu.memref_slice %arg5[%and3A_103, %and3A_105, %run_scoped3A_119, %dma_start3A_133] : memref<2x8x2x128xi32, #tpu.memory_space<vmem>> -> memref<1x1x1x128xi32, #tpu.memory_space<vmem>>
        %dma_start3A_135 = tpu.memref_squeeze %dma_start3A_134 : memref<1x1x1x128xi32, #tpu.memory_space<vmem>> -> memref<128xi32, #tpu.memory_space<vmem>>
        %dma_start3A_136 = arith.constant 0 : i32
        %dma_start3A_137 = arith.constant 0 : i32
        %dma_start3A_138 = tpu.memref_slice %arg7[%dma_start3A_136, %dma_start3A_137] : memref<10240x128xf32, #tpu.memory_space<vmem_shared>> -> memref<10240x128xf32, #tpu.memory_space<vmem_shared>>
        tpu.enqueue_indirect_dma source(%dma_start3A_132 : memref<128x128xf32, #tpu.memory_space<vmem>>) target(%dma_start3A_138 : memref<10240x128xf32, #tpu.memory_space<vmem_shared>>) offsets(%dma_start3A_135 : memref<128xi32, #tpu.memory_space<vmem>>) semaphore(%run_scoped3A_128 : memref<!tpu.dma_semaphore, #tpu.memory_space<semaphore_mem>>) {add = true}
        %dma_wait3A_139 = arith.constant 0 : i32
        %dma_wait3A_140 = arith.constant 0 : i32
        %dma_wait3A_141 = tpu.memref_slice %arg6[%run_scoped3A_118, %dma_wait3A_139, %dma_wait3A_140] : memref<2x128x128xf32, #tpu.memory_space<vmem>> -> memref<1x128x128xf32, #tpu.memory_space<vmem>>
        %dma_wait3A_142 = tpu.memref_squeeze %dma_wait3A_141 : memref<1x128x128xf32, #tpu.memory_space<vmem>> -> memref<128x128xf32, #tpu.memory_space<vmem>>
        %dma_wait3A_143 = arith.constant 0 : i32
        %dma_wait3A_144 = tpu.memref_slice %arg5[%and3A_103, %and3A_105, %run_scoped3A_119, %dma_wait3A_143] : memref<2x8x2x128xi32, #tpu.memory_space<vmem>> -> memref<1x1x1x128xi32, #tpu.memory_space<vmem>>
        %dma_wait3A_145 = tpu.memref_squeeze %dma_wait3A_144 : memref<1x1x1x128xi32, #tpu.memory_space<vmem>> -> memref<128xi32, #tpu.memory_space<vmem>>
        %dma_wait3A_146 = arith.constant 0 : i32
        %dma_wait3A_147 = arith.constant 0 : i32
        %dma_wait3A_148 = tpu.memref_slice %arg7[%dma_wait3A_146, %dma_wait3A_147] : memref<10240x128xf32, #tpu.memory_space<vmem_shared>> -> memref<10240x128xf32, #tpu.memory_space<vmem_shared>>
        tpu.wait_indirect_dma semaphore(%run_scoped3A_128 : memref<!tpu.dma_semaphore, #tpu.memory_space<semaphore_mem>>) src(%dma_wait3A_142 : memref<128x128xf32, #tpu.memory_space<vmem>>) dst(%dma_wait3A_148 : memref<10240x128xf32, #tpu.memory_space<vmem_shared>>)
        tpu.yield
      }) : () -> ()
      %add3A_120 = arith.constant 2 : i32
      %add3A_121 = arith.addi %add3A_99, %add3A_120 : i32
      %lt3A_122 = arith.constant 80 : i32
      %lt3A_123 = arith.cmpi slt, %add3A_121, %lt3A_122 : i32
      %convert_element_type3A_124 = arith.extui %lt3A_123 : i1 to i32
      %cond3A_125 = arith.constant 1 : i32
      %cond3A_126 = arith.constant 0 : i32
      %cond3A_127 = arith.cmpi ne, %convert_element_type3A_124, %cond3A_126 : i32
      scf.if %cond3A_127 {
        %add3A_128 = arith.constant 2 : i32
        %add3A_129 = arith.addi %add3A_99, %add3A_128 : i32
        %shift_right_logical3A_130 = arith.constant 3 : i32
        %shift_right_logical3A_131 = arith.shrui %add3A_129, %shift_right_logical3A_130 : i32
        %and3A_132 = arith.constant 1 : i32
        %and3A_133 = arith.andi %shift_right_logical3A_131, %and3A_132 : i32
        %add3A_134 = arith.constant 2 : i32
        %add3A_135 = arith.addi %add3A_99, %add3A_134 : i32
        %and3A_136 = arith.constant 7 : i32
        %and3A_137 = arith.andi %add3A_135, %and3A_136 : i32
        %dma_start3A_138 = arith.constant 0 : i32
        %dma_start3A_139 = arith.constant 0 : i32
        %dma_start3A_140 = arith.constant 0 : i32
        %dma_start3A_141 = tpu.memref_slice %arg6[%cond3A_125, %dma_start3A_139, %dma_start3A_140] : memref<2x128x128xf32, #tpu.memory_space<vmem>> -> memref<1x128x128xf32, #tpu.memory_space<vmem>>
        %dma_start3A_142 = tpu.memref_squeeze %dma_start3A_141 : memref<1x128x128xf32, #tpu.memory_space<vmem>> -> memref<128x128xf32, #tpu.memory_space<vmem>>
        %dma_start3A_143 = arith.constant 0 : i32
        %dma_start3A_144 = tpu.memref_slice %arg5[%and3A_133, %and3A_137, %dma_start3A_138, %dma_start3A_143] : memref<2x8x2x128xi32, #tpu.memory_space<vmem>> -> memref<1x1x1x128xi32, #tpu.memory_space<vmem>>
        %dma_start3A_145 = tpu.memref_squeeze %dma_start3A_144 : memref<1x1x1x128xi32, #tpu.memory_space<vmem>> -> memref<128xi32, #tpu.memory_space<vmem>>
        %dma_start3A_146 = arith.constant 0 : i32
        %dma_start3A_147 = arith.constant 0 : i32
        %dma_start3A_148 = tpu.memref_slice %arg2[%dma_start3A_146, %dma_start3A_147] : memref<10240x128xf32, #tpu.memory_space<hbm>> -> memref<10240x128xf32, #tpu.memory_space<hbm>>
        tpu.enqueue_indirect_dma source(%dma_start3A_148 : memref<10240x128xf32, #tpu.memory_space<hbm>>) target(%dma_start3A_142 : memref<128x128xf32, #tpu.memory_space<vmem>>) offsets(%dma_start3A_145 : memref<128xi32, #tpu.memory_space<vmem>>) semaphore(%arg9 : memref<!tpu.dma_semaphore, #tpu.memory_space<semaphore_mem>>)
      } else {
      }
    }
    %scan3A_60 = arith.constant 40 : i32
    %barrier3A_61 = arith.constant 0 : index
    tpu.barrier barrier_id(%barrier3A_61)
    "tpu.region"() ({
      %run_scoped3A_62 = tpu.sem_alloc : memref<!tpu.dma_semaphore, #tpu.memory_space<semaphore_mem>>
      %dma_start3A_63 = arith.constant 0 : i32
      %dma_start3A_64 = tpu.memref_slice %arg4[%arg0, %mul3A_2, %dma_start3A_63] : memref<2x10240x128xf32, #tpu.memory_space<hbm>> -> memref<1x640x128xf32, #tpu.memory_space<hbm>>
      %dma_start3A_65 = tpu.memref_squeeze %dma_start3A_64 : memref<1x640x128xf32, #tpu.memory_space<hbm>> -> memref<640x128xf32, #tpu.memory_space<hbm>>
      %dma_start3A_66 = arith.constant 0 : i32
      %dma_start3A_67 = tpu.memref_slice %arg7[%mul3A_2, %dma_start3A_66] : memref<10240x128xf32, #tpu.memory_space<vmem_shared>> -> memref<640x128xf32, #tpu.memory_space<vmem_shared>>
      tpu.enqueue_dma source(%dma_start3A_67 : memref<640x128xf32, #tpu.memory_space<vmem_shared>>) target(%dma_start3A_65 : memref<640x128xf32, #tpu.memory_space<hbm>>) target_semaphore(%run_scoped3A_62 : memref<!tpu.dma_semaphore, #tpu.memory_space<semaphore_mem>>)
      %dma_wait3A = arith.constant 0 : i32
      %dma_wait3A_68 = tpu.memref_slice %arg4[%arg0, %mul3A_2, %dma_wait3A] : memref<2x10240x128xf32, #tpu.memory_space<hbm>> -> memref<1x640x128xf32, #tpu.memory_space<hbm>>
      %dma_wait3A_69 = tpu.memref_squeeze %dma_wait3A_68 : memref<1x640x128xf32, #tpu.memory_space<hbm>> -> memref<640x128xf32, #tpu.memory_space<hbm>>
      %dma_wait3A_70 = arith.constant 0 : i32
      %dma_wait3A_71 = tpu.memref_slice %arg7[%mul3A_2, %dma_wait3A_70] : memref<10240x128xf32, #tpu.memory_space<vmem_shared>> -> memref<640x128xf32, #tpu.memory_space<vmem_shared>>
      tpu.wait_dma2 semaphore(%run_scoped3A_62 : memref<!tpu.dma_semaphore, #tpu.memory_space<semaphore_mem>>) src(%dma_wait3A_71 : memref<640x128xf32, #tpu.memory_space<vmem_shared>>) dst(%dma_wait3A_69 : memref<640x128xf32, #tpu.memory_space<hbm>>)
      tpu.yield
    }) : () -> ()
    return
  }
}

module attributes {stable_mosaic.version = 14 : i64} {
  func.func @_tc_norm_body(%arg0: i32, %arg1: memref<2048x128xf32, #tpu.memory_space<vmem>>, %arg2: memref<2048x128xf32, #tpu.memory_space<vmem>>, %arg3: memref<32x2048xf32, #tpu.memory_space<vmem>>, %arg4: memref<2048x128xf32, #tpu.memory_space<vmem>>) attributes {dimension_semantics = [#tpu.dimension_semantics<arbitrary>], iteration_bounds = array<i64: 5>, scalar_prefetch = 0 : i64, scratch_operands = 0 : i64, tpu.core_type = #tpu.core_type<tc>, window_params = [{transform_indices = @transform_0, window_bounds = array<i64: 2048, 128>}, {transform_indices = @transform_1, window_bounds = array<i64: 2048, 128>}, {transform_indices = @transform_2, window_bounds = array<i64: 32, 2048>}, {transform_indices = @transform_3, window_bounds = array<i64: 2048, 128>}]} {
    %get3A = arith.constant 0 : index
    %get3A_0 = arith.constant 0 : index
    %get3A_1 = vector.load %arg3[%get3A, %get3A_0] : memref<32x2048xf32, #tpu.memory_space<vmem>>, vector<32x2048xf32>
    %reduce_sum3A = arith.constant dense<0.000000e+00> : vector<2048xf32>
    %reduce_sum3A_2 = vector.multi_reduction <add>, %get3A_1, %reduce_sum3A [0] : vector<32x2048xf32> to vector<2048xf32>
    %max3A = arith.constant 1.000000e+00 : f32
    %max3A_3 = vector.broadcast %max3A : f32 to vector<2048xf32>
    %max3A_4 = arith.maximumf %reduce_sum3A_2, %max3A_3 : vector<2048xf32>
    %div3A = arith.constant 1.000000e+00 : f32
    %div3A_5 = vector.broadcast %div3A : f32 to vector<2048xf32>
    %div3A_6 = arith.divf %div3A_5, %max3A_4 : vector<2048xf32>
    %get3A_7 = arith.constant 0 : index
    %get3A_8 = arith.constant 0 : index
    %get3A_9 = vector.load %arg1[%get3A_7, %get3A_8] : memref<2048x128xf32, #tpu.memory_space<vmem>>, vector<2048x128xf32>
    %get3A_10 = arith.constant 0 : index
    %get3A_11 = arith.constant 0 : index
    %get3A_12 = vector.load %arg2[%get3A_10, %get3A_11] : memref<2048x128xf32, #tpu.memory_space<vmem>>, vector<2048x128xf32>
    %add3A = arith.addf %get3A_9, %get3A_12 : vector<2048x128xf32>
    %broadcast_in_dim3A = vector.shape_cast %div3A_6 : vector<2048xf32> to vector<2048x1xf32>
    %mul3A = vector.broadcast %broadcast_in_dim3A : vector<2048x1xf32> to vector<2048x128xf32>
    %mul3A_13 = arith.mulf %add3A, %mul3A : vector<2048x128xf32>
    %swap3A = arith.constant 0 : index
    %swap3A_14 = arith.constant 0 : index
    %swap3A_15 = vector.load %arg4[%swap3A, %swap3A_14] : memref<2048x128xf32, #tpu.memory_space<vmem>>, vector<2048x128xf32>
    tpu.vector_store %arg4[%swap3A, %swap3A_14], %mul3A_13 {strides = array<i32>} : memref<2048x128xf32, #tpu.memory_space<vmem>>, vector<2048x128xf32>,
    return
  }
  func.func @transform_0(%arg0: i32) -> (i32, i32) {
    %c0_i32 = arith.constant 0 : i32
    %c0_i32_0 = arith.constant 0 : i32
    return %arg0, %c0_i32 : i32, i32
  }
  func.func @transform_1(%arg0: i32) -> (i32, i32) {
    %c0_i32 = arith.constant 0 : i32
    %c0_i32_0 = arith.constant 0 : i32
    return %arg0, %c0_i32 : i32, i32
  }
  func.func @transform_2(%arg0: i32) -> (i32, i32) {
    %c0_i32 = arith.constant 0 : i32
    %c0_i32_0 = arith.constant 0 : i32
    return %c0_i32, %arg0 : i32, i32
  }
  func.func @transform_3(%arg0: i32) -> (i32, i32) {
    %c0_i32 = arith.constant 0 : i32
    %c0_i32_0 = arith.constant 0 : i32
    return %arg0, %c0_i32 : i32, i32
  }
}

module attributes {stable_mosaic.version = 14 : i64} {
  func.func @_mm_body(%arg0: i32, %arg1: memref<1xf32, #tpu.memory_space<smem>>, %arg2: memref<2048x128xf32, #tpu.memory_space<vmem>>, %arg3: memref<2048x128xf32, #tpu.memory_space<vmem>>, %arg4: memref<2048x128xf32, #tpu.memory_space<vmem>>, %arg5: memref<128x128xf32, #tpu.memory_space<vmem>>, %arg6: memref<2048x128xf32, #tpu.memory_space<vmem>>) attributes {dimension_semantics = [#tpu.dimension_semantics<arbitrary>], iteration_bounds = array<i64: 5>, scalar_prefetch = 0 : i64, scratch_operands = 0 : i64, tpu.core_type = #tpu.core_type<tc>, window_params = [{transform_indices = @transform_0, window_bounds = array<i64: 1>}, {transform_indices = @transform_1, window_bounds = array<i64: 2048, 128>}, {transform_indices = @transform_2, window_bounds = array<i64: 2048, 128>}, {transform_indices = @transform_3, window_bounds = array<i64: 2048, 128>}, {pipeline_mode = #tpu.pipeline_mode<synchronous>, transform_indices = @transform_4, window_bounds = array<i64: 128, 128>}, {transform_indices = @transform_5, window_bounds = array<i64: 2048, 128>}]} {
    %get3A = arith.constant 0 : index
    %get3A_0 = memref.load %arg1[%get3A] : memref<1xf32, #tpu.memory_space<smem>>
    %add3A = arith.constant 1.000000e+00 : f32
    %add3A_1 = arith.addf %add3A, %get3A_0 : f32
    %get3A_2 = arith.constant 0 : index
    %get3A_3 = arith.constant 0 : index
    %get3A_4 = vector.load %arg2[%get3A_2, %get3A_3] : memref<2048x128xf32, #tpu.memory_space<vmem>>, vector<2048x128xf32>
    %mul3A = vector.broadcast %add3A_1 : f32 to vector<2048x128xf32>
    %mul3A_5 = arith.mulf %mul3A, %get3A_4 : vector<2048x128xf32>
    %get3A_6 = arith.constant 0 : index
    %get3A_7 = arith.constant 0 : index
    %get3A_8 = vector.load %arg3[%get3A_6, %get3A_7] : memref<2048x128xf32, #tpu.memory_space<vmem>>, vector<2048x128xf32>
    %add3A_9 = arith.addf %mul3A_5, %get3A_8 : vector<2048x128xf32>
    %get3A_10 = arith.constant 0 : index
    %get3A_11 = arith.constant 0 : index
    %get3A_12 = vector.load %arg4[%get3A_10, %get3A_11] : memref<2048x128xf32, #tpu.memory_space<vmem>>, vector<2048x128xf32>
    %add3A_13 = arith.addf %add3A_9, %get3A_12 : vector<2048x128xf32>
    %get3A_14 = arith.constant 0 : index
    %get3A_15 = arith.constant 0 : index
    %get3A_16 = vector.load %arg5[%get3A_14, %get3A_15] : memref<128x128xf32, #tpu.memory_space<vmem>>, vector<128x128xf32>
    %dot_general3A = arith.constant dense<0.000000e+00> : vector<2048x128xf32>
    %dot_general3A_17 = tpu.matmul %add3A_13, %get3A_16, %dot_general3A {dimension_numbers = #tpu.dot_dimension_numbers<[1], [1], [0], [0], [0, 0, 1, 0], [], []>, transpose_lhs_hint = false} : vector<2048x128xf32>, vector<128x128xf32>, vector<2048x128xf32> -> vector<2048x128xf32>
    %swap3A = arith.constant 0 : index
    %swap3A_18 = arith.constant 0 : index
    %swap3A_19 = vector.load %arg6[%swap3A, %swap3A_18] : memref<2048x128xf32, #tpu.memory_space<vmem>>, vector<2048x128xf32>
    tpu.vector_store %arg6[%swap3A, %swap3A_18], %dot_general3A_17 {strides = array<i32>} : memref<2048x128xf32, #tpu.memory_space<vmem>>, vector<2048x128xf32>,
    return
  }
  func.func @transform_0(%arg0: i32) -> i32 {
    %c0_i32 = arith.constant 0 : i32
    %c0_i32_0 = arith.constant 0 : i32
    return %c0_i32 : i32
  }
  func.func @transform_1(%arg0: i32) -> (i32, i32) {
    %c0_i32 = arith.constant 0 : i32
    %c0_i32_0 = arith.constant 0 : i32
    return %arg0, %c0_i32 : i32, i32
  }
  func.func @transform_2(%arg0: i32) -> (i32, i32) {
    %c0_i32 = arith.constant 0 : i32
    %c0_i32_0 = arith.constant 0 : i32
    return %arg0, %c0_i32 : i32, i32
  }
  func.func @transform_3(%arg0: i32) -> (i32, i32) {
    %c0_i32 = arith.constant 0 : i32
    %c0_i32_0 = arith.constant 0 : i32
    return %arg0, %c0_i32 : i32, i32
  }
  func.func @transform_4(%arg0: i32) -> (i32, i32) {
    %c0_i32 = arith.constant 0 : i32
    %c0_i32_0 = arith.constant 0 : i32
    %c0_i32_1 = arith.constant 0 : i32
    return %c0_i32, %c0_i32_0 : i32, i32
  }
  func.func @transform_5(%arg0: i32) -> (i32, i32) {
    %c0_i32 = arith.constant 0 : i32
    %c0_i32_0 = arith.constant 0 : i32
    return %arg0, %c0_i32 : i32, i32
  }
}

</mosaic_0001>

<sc_bundles>
// kernel: kernel.6.cloned.1.call-start
scs
__scs_entry_jumppad:
0x0: {  	(pc) =	sbr.rel $0x88, $3  }
0x1: {  	(tag) =	ssettag $0x0;
	lr =	simm.s32 $0x1  }
0x2: {  	[smem:$0x3F9C] =	sst lr;
	_ =	strace $0xD0000000  }
0x3: {  	_ = 	snop  }
0x4: {  	_ = 	snop  }
0x5: {  	_ = 	snop  }
0x6: {  	_ = 	snop  }
0x7: {  	_ = 	snop  }
__scs_overlays_trampoline_lowered:
0x8: {  	[smem:$0x3FAB] =	sst s0  }
0x9: {  	[smem:$0x3FAC] =	sst s1  }
0xa: {  	[smem:$0x3FAD] =	sst s2  }
0xb: {  	[smem:$0x3FAE] =	sst s3  }
0xc: {  	[smem:$0x3FAF] =	sst s4  }
0xd: {  	[smem:$0x3FB0] =	sst s5  }
0xe: {  	[smem:$0x3FB1] =	sst s6  }
0xf: {  	[smem:$0x3FB2] =	sst s7  }
0x10: {  	[smem:$0x3FB3] =	sst s8  }
0x11: {  	[smem:$0x3FB4] =	sst s9;
	s0 =	simm.s32 @!p0 $0x0  }
0x12: {  	s1 =	sld [smem:$0x3F9A];
	s0 =	simm.s32 @p0 $0x1  }
0x13: {  	[smem:$0x3FB5] =	sst s0;
	s0 =	simm.s32 @!p1 $0x0  }
0x14: {  	s2 =	sld [smem:$0x3F99];
	s0 =	simm.s32 @p1 $0x1  }
0x15: {  	[smem:$0x3FB6] =	sst s0;
	s0 =	simm.s32 @!p2 $0x0  }
0x16: {  	s3 =	sld [smem:$0x3FDB];
	s0 =	simm.s32 @p2 $0x1  }
0x17: {  	s4 =	simm.s32 $0x1BF5;
	[smem:$0x3FB8] =	sst s0  }
0x18: {  	s0 =	sld [smem:$0x3F9B];
	_ =	swait.ge [sflag:s4], $0x0  }
0x19: {  	s7 =	sld [smem:$0x3F9C]  }
0x1a: {  	s8 =	sadd.s32 $0xFFFFE003, lr  }
0x1b: {  	s9 =	sadd.s32 $0xFFFFFEF7, lr;
	s5 =	simm.s32 $0xFFFFFFFF;
	p2 =	slt.u32 s8, $0xFFFFF086  }
0x1c: {  	p1 =	slt.u32 s9, $0xF7A;
	s5 =	simm.s32 @!p2 $0x0  }
0x1d: {  	s5 =	simm.s32 @p1 $0x1;
	p0 =	seq.s32 s7, s2  }
0x1e: {  	s7 =	smul.u32 @!p0 $0xF7A, s2;
	p2 =	seq.s32 @!p0 s5, $0x0  }
0x1f: {  	s9 =	smul.u32 $0xF7A, s1;
	s8 =	simm.s32 @!p0 $0x1BF5;
	p2 =	por !p2, p0  }
0x20: {  	[sflag:s8] =	ssyncset.s32 @!p0 $0xFFFFF086;
	s6 =	sadd.s32 @!p0 s3, s7;
	s7 =	simm.s32 @!p0 $0x108  }
0x21: {  	s3 =	sadd.s32 s3, s9;
	s6 =	sadd.s32 @!p0 $0x88, s6;
	s7 =	simm.s32 @p2 $0x1082  }
0x22: {  	[simem:s7], [sflag:s8] =	dma.local @!p0 [hbm:s6], $0xF7A  }
0x23: {  	s9 =	sor.u32 $0xD0000000, s2;
	s6 =	simm.s32 $0x108;
	_ =	swait.ge @!p0 [sflag:s8], $0x0  }
0x24: {  	s3 =	sadd.s32 $0x88, s3;
	s6 =	simm.s32 @!p1 $0x1082;
	[sflag:s4] =	ssyncset.s32 $0xFFFFF086  }
0x25: {  	[simem:s6], [sflag:s4] =	dma.local [hbm:s3], $0xF7A  }
0x26: {  	[smem:$0x3F9C] =	sst s1;
	(tag) =	ssettag s2;
	_ =	strace s9  }
0x27: {  	s1 =	sld [smem:$0x3FAC]  }
0x28: {  	s2 =	sld [smem:$0x3FAD]  }
0x29: {  	s4 =	sld [smem:$0x3FAF]  }
0x2a: {  	p0 =	seq.s32 s5, $0x0;
	s5 =	sld [smem:$0x3FB0]  }
0x2b: {  	s6 =	sld [smem:$0x3FB1]  }
0x2c: {  	s7 =	sld [smem:$0x3FB2]  }
0x2d: {  	s3 =	simm.s32 $0x108;
	s8 =	sld [smem:$0x3FB3]  }
0x2e: {  	s3 =	simm.s32 @!p0 $0x1082;
	s9 =	sld [smem:$0x3FB4]  }
0x2f: {  	lr =	sadd.s32 s0, s3;
	s0 =	sld [smem:$0x3FAB]  }
0x30: {  	s3 =	sld [smem:$0x3FAE]  }
0x31: {  	[smem:$0x3FB7] =	sst s10  }
0x32: {  	s10 =	sld [smem:$0x3FB5];
	_ =	sdelay $0x3  }
0x33: {  	p0 =	seq.s32 s10, $0x1;
	s10 =	sld [smem:$0x3FB7];
	_ =	sdelay $0x3  }
0x34: {  	[smem:$0x3FB7] =	sst s10  }
0x35: {  	s10 =	sld [smem:$0x3FB6];
	_ =	sdelay $0x3  }
0x36: {  	p1 =	seq.s32 s10, $0x1;
	s10 =	sld [smem:$0x3FB7];
	_ =	sdelay $0x3  }
0x37: {  	[smem:$0x3FB7] =	sst s10  }
0x38: {  	s10 =	sld [smem:$0x3FB8]  }
0x39: {  	_ = 	snop;
	(pc) =	sbr.ind lr, $3  }
0x3a: {  	_ = 	snop  }
0x3b: {  	_ = 	snop  }
0x3c: {  	p2 =	seq.s32 s10, $0x1;
	s10 =	sld [smem:$0x3FB7]  }
0x3d: {  	_ =	shalt  }
0x3e: {  	_ =	shalt  }
0x3f: {  	_ =	shalt  }
0x40: {  	_ =	shalt  }
0x41: {  	_ =	shalt  }
0x42: {  	_ =	shalt  }
0x43: {  	_ =	shalt  }
0x44: {  	_ =	shalt  }
0x45: {  	_ =	shalt  }
0x46: {  	_ =	shalt  }
0x47: {  	_ =	shalt  }
0x48: {  	_ =	shalt  }
0x49: {  	_ =	shalt  }
0x4a: {  	_ =	shalt  }
0x4b: {  	_ =	shalt  }
0x4c: {  	_ =	shalt  }
0x4d: {  	_ =	shalt  }
0x4e: {  	_ =	shalt  }
0x4f: {  	_ =	shalt  }
0x50: {  	_ =	shalt  }
0x51: {  	_ =	shalt  }
0x52: {  	_ =	shalt  }
0x53: {  	_ =	shalt  }
0x54: {  	_ =	shalt  }
0x55: {  	_ =	shalt  }
0x56: {  	_ =	shalt  }
0x57: {  	_ =	shalt  }
0x58: {  	_ =	shalt  }
0x59: {  	_ =	shalt  }
0x5a: {  	_ =	shalt  }
0x5b: {  	_ =	shalt  }
0x5c: {  	_ =	shalt  }
0x5d: {  	_ =	shalt  }
0x5e: {  	_ =	shalt  }
0x5f: {  	_ =	shalt  }
0x60: {  	_ =	shalt  }
0x61: {  	_ =	shalt  }
0x62: {  	_ =	shalt  }
0x63: {  	_ =	shalt  }
0x64: {  	_ =	shalt  }
0x65: {  	_ =	shalt  }
0x66: {  	_ =	shalt  }
0x67: {  	_ =	shalt  }
0x68: {  	_ =	shalt  }
0x69: {  	_ =	shalt  }
0x6a: {  	_ =	shalt  }
0x6b: {  	_ =	shalt  }
0x6c: {  	_ =	shalt  }
0x6d: {  	_ =	shalt  }
0x6e: {  	_ =	shalt  }
0x6f: {  	_ =	shalt  }
0x70: {  	_ =	shalt  }
0x71: {  	_ =	shalt  }
0x72: {  	_ =	shalt  }
0x73: {  	_ =	shalt  }
0x74: {  	_ =	shalt  }
0x75: {  	_ =	shalt  }
0x76: {  	_ =	shalt  }
0x77: {  	_ =	shalt  }
0x78: {  	_ =	shalt  }
0x79: {  	_ =	shalt  }
0x7a: {  	_ =	shalt  }
0x7b: {  	_ =	shalt  }
0x7c: {  	_ =	shalt  }
0x7d: {  	_ =	shalt  }
0x7e: {  	_ =	shalt  }
0x7f: {  	_ =	shalt  }
0x80: {  	_ =	shalt  }
0x81: {  	_ =	shalt  }
0x82: {  	_ =	shalt  }
0x83: {  	_ =	shalt  }
0x84: {  	_ =	shalt  }
0x85: {  	_ =	shalt  }
0x86: {  	_ =	shalt  }
0x87: {  	_ =	shalt  }
.Lfunc_end0:
.L_simem_size_0:
called_computation_lowered:
.L_overlay_start_0:
0x88: {  	s2 =	sld [smem:$0x3FD9]  }
0x89: {  	s3 =	sld [smem:$0x3FFE];
	_ =	sdelay $0x1  }
0x8a: {  	s1 =	srdreg.scid  }
0x8b: {  	s0 =	sand.u32 $0x1, s1  }
0x8c: {  	s16 =	sshll.u32 s0, $0xA;
	s2 =	sadd.s32 s3, s2  }
0x8d: {  	s2 =	sadd.s32 s2, s16  }
0x8e: {  	[smem:$0x3FC3] =	sst s2  }
0x8f: {  	_ = 	snop  }
0x90: {  	(tm) =	ssettm $0x1  }
0x91: {  	s17 =	sld [smem:$0x3FFB];
	_ =	sdelay $0x3  }
0x92: {  	_ =	strace s17  }
0x93: {  	s2 =	sld [smem:$0x3FFC];
	_ =	sdelay $0x3  }
0x94: {  	_ =	strace s2  }
0x95: {  	s2 =	sld [smem:$0x3FFD];
	_ =	sdelay $0x3  }
0x96: {  	_ =	strace s2  }
0x97: {  	_ =	strace $0x8FFFFFFF  }
0x98: {  	s18 =	sld [smem:$0x3FDB];
	_ =	sdelay $0x1  }
0x99: {  	s19 =	simm.s32 $_scs_section_size  }
0x9a: {  	s4 =	simm.s32 $_size__tile_overlayer_lowered;
	s5 =	simm.s32 $_tile_overlayer_lowered  }
0x9b: {  	s22 =	simm.s32 $0x1BFF;
	s21 =	sshll.u32 s5, $0x1;
	s2 =	sadd.s32 s19, s18  }
0x9c: {  	s6 =	simm.s32 $0x0;
	s20 =	sshll.u32 s4, $0x1;
	s4 =	sadd.s32 s21, s2  }
0x9d: {  	[timem:s6], [sflag:s22] =	dma.local [hbm:s4], s20  }
0x9e: {  	_ =	swait.ge [sflag:s22], s20  }
0x9f: {  	s3 =	ssub.s32 $0x0, s20;
	[sflag:s22] =	ssyncset.done $0x0  }
0xa0: {  	[sflag:s22] =	ssyncadd.s32 s3;
	_ =	sdelay $0x1  }
0xa1: {  	s23 =	simm.s32 $0x1B8B  }
0xa2: {  	_ =	swait.ge [sflag:s23], $0x1  }
0xa3: {  	[sflag:s23] =	ssyncset.done $0x0  }
0xa4: {  	s25 =	simm.s32 $0x1B8E;
	s24 =	sld [smem:$0x3FFE];
	[sflag:s23] =	ssyncadd.s32 $0xFFFFFFFF  }
0xa5: {  	s26 =	simm.s32 $execute0_lowered;
	[smem:$0x3FD2] =	sst s25  }
0xa6: {  	s4 =	sshll.u32 s26, $0x1;
	_ =	strace $0x80000046;
	[dreg:$0x1] =	wrdreg $0xFFFFFFFF  }
0xa7: {  	s28 =	simm.s32 $_size_execute0_lowered;
	s2 =	sadd.s32 s2, s4;
	[dreg:$0x0] =	wrdreg $0x0  }
0xa8: {  	s4 =	sshll.u32 s28, $0x1;
	[dreg:$0x2] =	wrdreg s2  }
0xa9: {  	[dreg:$0x3] =	wrdreg s4  }
0xaa: {  	[dreg:$0x4] =	wrdreg $0xC0  }
0xab: {  	_ =	task [dreg:s6], $0x5FFFF  }
0xac: {  	[dreg:$0x1] =	wrdreg $0xFFFFFFFF  }
0xad: {  	[dreg:$0x0] =	wrdreg $0x60  }
0xae: {  	[dreg:$0x2] =	wrdreg s24  }
0xaf: {  	[dreg:$0x3] =	wrdreg $0xB8000  }
0xb0: {  	[dreg:$0x4] =	wrdreg $0x9  }
0xb1: {  	_ =	task.clear_ibuf [dreg:s6], $0x5FFFF;
	_ =	strace $0x90000046  }
0xb2: {  	s29 =	simm.s32 $0x9;
	_ =	strace $0x80000048  }
0xb3: {  	_ =	swait.ge [sflag:s29], $0x1  }
0xb4: {  	[sflag:s29] =	ssyncadd.s32 $0xFFFFFFFF  }
0xb5: {  	_ =	strace $0x90000048  }
0xb6: {  	_ =	sfence  }
0xb7: {  	s30 =	sld [smem:$0x0];
	_ =	sdelay $0x2  }
0xb8: {  	s31 =	sshll.u32 s1, $0xD;
	s1 =	sshrl.u32 s1, $0x2  }
0xb9: {  	s3 =	sand.u32 $0x4000, s31;
	s1 =	sadd.s32 s1, s30  }
0xba: {  	s0 =	sor.u32 s3, s0;
	s1 =	sshll.u32 s1, $0x11  }
0xbb: {  	s0 =	sor.u32 s1, s0  }
0xbc: {  	s0 =	sadd.s32 $0x8F2B, s0  }
0xbd: {  	[sflag:s0] =	ssyncadd.remote.s32 $0x1  }
0xbe: {  	_ =	sfence.sel $0xFFFF  }
0xbf: {  	[dreg:$0x0] =	wrdreg $0xFFFFFFFF;
	(pc) =	sbr.abs _section_cstart, $3  }
0xc0: {  	[dreg:$0x1] =	wrdreg $0xFFFFFFFF  }
0xc1: {  	_ =	task.clear_ibuf [dreg:s6], $0x2FFFF;
	_ =	strace $0x9FFFFFFF  }
0xc2: {  	(tm) =	ssettm $0x7FFFFFFF  }
0xc3: {  	_ =	shalt  }
tec
execute0_lowered:
.L_overlay_start_1:
0x0: {  	(tag) =	ssettag $0x1  }
0x1: {  	s5 =	rddreg [dreg:$0x0]  }
0x2: {  	s2 =	rddreg [dreg:$0x1]  }
0x3: {  	s1 =	srdreg.scid;
	s0 =	simm.s32 $0x0;
	s17 =	simm.s32 $0x80  }
0x4: {  	s18 =	simm.s32 $0x100;
	s19 =	simm.s32 $0x5000;
	s6 =	sand.u32 $0x1, s1  }
0x5: {  	s20 =	simm.s32 $0x1;
	s1 =	stileid.u32;
	s4 =	smul.u32 $0x140000, s6  }
0x6: {  	s21 =	simm.s32 $0x9000;
	s22 =	simm.s32 $0x2;
	s7 =	smul.u32 $0x14000, s1  }
0x7: {  	s23 =	simm.s32 $0x0;
	[smem:$0x7FF] =	sst s0;
	s10 =	smul.u32 $0x50000, s1  }
0x8: {  	s14 =	sadd.s32 $0x2A00, s5;
	s8 =	sshll.u32 s6, $0x4;
	s28 =	smul.u32 $0x50000, s6  }
0x9: {  	_ =	strace $0x80000047;
	s25 =	ssub.s32 $0x2, s6;
	s30 =	smul.u32 $0x5000, s1  }
0xa: {  	s8 =	sor.u32 s1, s8;
	s29 =	sshrl.u32 s25, $0x1;
	s7 =	sadd.s32 s7, s4  }
0xb: {  	s9 =	smul.u32 $0x500, s8;
	s4 =	sadd.s32 $0x16A00, s5;
	s26 =	sshrl.u32 s10, $0x2  }
0xc: {  	s13 =	ssub.s32 s25, s29;
	s15 =	smul.u32 $0x5000, s8;
	s10 =	sadd.s32 s30, s28  }
0xd: {  	s7 =	sshrl.u32 s7, $0x3;
	s16 =	sor.u32 $0x200, s10;
	s13 =	smax.u32 s13, $0x1  }
0xe: {  	s12 =	sadd.s32 s7, s5;
	s11 =	sadd.s32 s9, s5;
	s5 =	sadd.s32 s26, s2  }
0xf: {  	s15 =	sshrl.u32 s15, $0x3;
	s31 =	sshrl.u32 s16, $0x3;
	s16 =	simm.s32 $0x3  }
0x10: {  	s6 =	sadd.s32 $0x4000, s5;
	s7 =	sadd.s32 $0x8000, s5;
	s8 =	sadd.s32 $0xC000, s5  }
0x11: {  	s9 =	sadd.s32 $0x10000, s5;
	s10 =	sadd.s32 s14, s15;
	s11 =	sadd.s32 $0x8EA00, s11  }
0x12: {  	v0 =	vimm.f32 $0.0e+00;
	v1 =	vimm.f32 $1.000000000e+00;
	s12 =	sadd.s32 $0x3EA00, s12;
	s14 =	sadd.s32 s31, s14;
	s15 =	simm.s32 $0x1000  }
.LBB2_1:
0x13: {  	s24 =	simm.s32 $0x0;
	s25 =	simm.s32 $0x200  }
.LBB2_2:
0x14: {  	p0 =	sne.s32 s25, $0xFE00;
	[tilespmem:s24+$0x1070] =	vst v0  }
0x15: {  	[tilespmem:s24+$0x1000] =	vst v0  }
0x16: {  	[tilespmem:s24+$0x1010] =	vst v0  }
.Ltmp0:
0x17: {  	[tilespmem:s24+$0x1020] =	vst v0;
	(pc) =	sbr.rel @p0 .LBB2_2-.Ltmp0, $4  }
0x18: {  	[tilespmem:s24+$0x1030] =	vst v0  }
0x19: {  	[tilespmem:s24+$0x1040] =	vst v0  }
0x1a: {  	[tilespmem:s24+$0x1050] =	vst v0  }
0x1b: {  	[tilespmem:s24+$0x1060] =	vst v0;
	s24 =	sshra.s32 s25, $0x2;
	s25 =	sadd.s32 $0x200, s25  }
0x1c: {  	[tilespmem:s24+$0x1070] =	vst v0  }
0x1d: {  	[tilespmem:s24+$0x1000] =	vst v0  }
0x1e: {  	[tilespmem:s24+$0x1010] =	vst v0  }
0x1f: {  	[tilespmem:s24+$0x1020] =	vst v0  }
0x20: {  	[tilespmem:s24+$0x1030] =	vst v0  }
0x21: {  	[tilespmem:s24+$0x1040] =	vst v0  }
0x22: {  	[tilespmem:s24+$0x1050] =	vst v0  }
0x23: {  	[tilespmem:s24+$0x1060] =	vst v0;
	s24 =	simm.s32 $0x40;
	s25 =	simm.s32 $0x0  }
.LBB2_4:
0x24: {  	p0 =	sne.s32 s24, $0x9FC0;
	[tilespmem:s25+$0x9000] =	vst v0;
	s25 =	smov.u32 s24;
	s24 =	sadd.s32 $0x40, s24  }
.Ltmp1:
0x25: {  	(pc) =	sbr.rel @p0 .LBB2_4-.Ltmp1, $2  }
0x26: {  	_ =	sdelay $0x2  }
0x27: {  	s25 =	sshra.s32 s25, $0x2  }
0x28: {  	[tilespmem:s25+$0x9000] =	vst v0  }
0x29: {  	[spmem:s5] =	stream.linear.scatter [tilespmem:s15], [sflag:$0x3], $0x4000, $0x38;
	[tilespmem:$0x1F800] =	vst v63  }
0x2a: {  	_ =	swait.ge [sflag:s16], $0x4000  }
0x2b: {  	[sflag:s16] =	ssyncset.done $0x0  }
0x2c: {  	[sflag:s16] =	ssyncadd.s32 $0xFFFFC000  }
0x2d: {  	[spmem:s6] =	stream.linear.scatter [tilespmem:s15], [sflag:$0x3], $0x4000, $0x38;
	[tilespmem:$0x1F800] =	vst v63  }
0x2e: {  	_ =	swait.ge [sflag:s16], $0x4000  }
0x2f: {  	[sflag:s16] =	ssyncset.done $0x0  }
0x30: {  	[sflag:s16] =	ssyncadd.s32 $0xFFFFC000  }
0x31: {  	[spmem:s7] =	stream.linear.scatter [tilespmem:s15], [sflag:$0x3], $0x4000, $0x38;
	[tilespmem:$0x1F800] =	vst v63  }
0x32: {  	_ =	swait.ge [sflag:s16], $0x4000  }
0x33: {  	[sflag:s16] =	ssyncset.done $0x0  }
0x34: {  	[sflag:s16] =	ssyncadd.s32 $0xFFFFC000  }
0x35: {  	[spmem:s8] =	stream.linear.scatter [tilespmem:s15], [sflag:$0x3], $0x4000, $0x38;
	[tilespmem:$0x1F800] =	vst v63  }
0x36: {  	_ =	swait.ge [sflag:s16], $0x4000  }
0x37: {  	[sflag:s16] =	ssyncset.done $0x0  }
0x38: {  	[sflag:s16] =	ssyncadd.s32 $0xFFFFC000  }
0x39: {  	[spmem:s9] =	stream.linear.scatter [tilespmem:s15], [sflag:$0x3], $0x4000, $0x38;
	[tilespmem:$0x1F800] =	vst v63  }
0x3a: {  	_ =	swait.ge [sflag:s16], $0x4000  }
0x3b: {  	[sflag:s16] =	ssyncset.done $0x0  }
0x3c: {  	s24 =	simm.s32 $0x0;
	[sflag:s16] =	ssyncadd.s32 $0xFFFFC000  }
0x3d: {  	[tilespmem:s24], [sflag:$0x3] =	stream.linear.gather [hbm4b:s10+s24], $0x800, $0x38;
	[tilespmem:$0x1F800] =	vst v63  }
0x3e: {  	_ =	swait.ge [sflag:s16], $0x800  }
0x3f: {  	[sflag:s16] =	ssyncset.done $0x0  }
0x40: {  	[sflag:s16] =	ssyncadd.s32 $0xFFFFF800  }
0x41: {  	[bflag:$0x0] =	sbarrier.arrive $0xFFFF  }
0x42: {  	[tilespmem:s15], [sflag:$0x1] =	stream.indirect.gather [hbm4b:s4+s17], $0x80, s24, s17, $0xb8;
	[tilespmem:$0x1F800] =	vst v63  }
0x43: {  	s25 =	simm.s32 $0x300;
	s26 =	smov.u32 s14  }
0x44: {  	[tilespmem:s19], [sflag:$0x2] =	stream.indirect.gather [hbm4b:s4+s17], $0x80, s18, s17, $0xb8;
	[tilespmem:$0x1F800] =	vst v63  }
.LBB2_6:
0x45: {  	s28 =	sand.u32 $0x6, s24;
	p0 =	seq.s32 s25, $0x5100  }
0x46: {  	p1 =	sne.s32 @!p0 s28, $0x6  }
0x47: {  	p1 =	por p1, p0  }
0x48: {  	s29 =	sadd.s32 @!p1 $0xFFFFFF00, s25  }
0x49: {  	s30 =	simm.s32 @!p1 $0x0;
	s29 =	sand.u32 @!p1 $0x800, s29  }
0x4a: {  	[tilespmem:s29], [sflag:$0x3] =	stream.linear.gather @!p1 [hbm4b:s26+s30], $0x800, $0x38;
	[tilespmem:$0x1F800] =	vst v63  }
0x4b: {  	s29 =	simm.s32 @!p1 $0x3  }
0x4c: {  	_ =	swait.ge @!p1 [sflag:s29], $0x800  }
0x4d: {  	[sflag:s29] =	ssyncset.done @!p1 $0x0  }
0x4e: {  	[sflag:s29] =	ssyncadd.s32 @!p1 $0xFFFFF800;
	s29 =	sadd.s32 $0xFFFFFD00, s25  }
0x4f: {  	s28 =	sshll.u32 s28, $0x8;
	_ =	swait.ge [sflag:s20], $0x4000;
	s30 =	sand.u32 $0x800, s29  }
0x50: {  	[sflag:s20] =	ssyncset.done $0x0;
	s28 =	sor.u32 s28, s30  }
0x51: {  	[sflag:s20] =	ssyncadd.s32 $0xFFFFC000;
	s31 =	sor.u32 $0x80, s28  }
0x52: {  	[spmem:s2] =	stream.indirect.scatter.add.f32 [tilespmem:s15], [sflag:$0x3], $0x80, s31, s17, $0xb8;
	[tilespmem:$0x1F800] =	vst v63  }
0x53: {  	_ =	swait.ge [sflag:s16], $0x4000  }
0x54: {  	s0 =	simm.s32 @!p0 $0x80;
	s31 =	sadd.s32 @!p0 $0xFFFFFF00, s25;
	[sflag:s16] =	ssyncset.done $0x0  }
0x55: {  	s3 =	simm.s32 @!p0 $0x1000;
	s31 =	sand.u32 @!p0 $0xE00, s31;
	[sflag:s16] =	ssyncadd.s32 $0xFFFFC000  }
0x56: {  	[tilespmem:s3], [sflag:$0x1] =	stream.indirect.gather @!p0 [hbm4b:s4+s0], $0x80, s31, s0, $0xb8;
	[tilespmem:$0x1F800] =	vst v63  }
0x57: {  	v2 =	vld [tilespmem:s28+$0x80];
	_ =	sdelay $0x7  }
0x58: {  	[tilespmem:v2+s21+$0x0] =	vst.idx.add.f32.msk $0xffff, v1  }
0x59: {  	v2 =	vld [tilespmem:s28+$0x90];
	_ =	sdelay $0x7  }
0x5a: {  	[tilespmem:v2+s21+$0x0] =	vst.idx.add.f32.msk $0xffff, v1  }
0x5b: {  	v2 =	vld [tilespmem:s28+$0xA0];
	_ =	sdelay $0x7  }
0x5c: {  	[tilespmem:v2+s21+$0x0] =	vst.idx.add.f32.msk $0xffff, v1  }
0x5d: {  	v2 =	vld [tilespmem:s28+$0xB0];
	_ =	sdelay $0x7  }
0x5e: {  	[tilespmem:v2+s21+$0x0] =	vst.idx.add.f32.msk $0xffff, v1  }
0x5f: {  	v2 =	vld [tilespmem:s28+$0xC0];
	_ =	sdelay $0x7  }
0x60: {  	[tilespmem:v2+s21+$0x0] =	vst.idx.add.f32.msk $0xffff, v1  }
0x61: {  	v2 =	vld [tilespmem:s28+$0xD0];
	_ =	sdelay $0x7  }
0x62: {  	[tilespmem:v2+s21+$0x0] =	vst.idx.add.f32.msk $0xffff, v1  }
0x63: {  	v2 =	vld [tilespmem:s28+$0xE0];
	_ =	sdelay $0x7  }
0x64: {  	[tilespmem:v2+s21+$0x0] =	vst.idx.add.f32.msk $0xffff, v1  }
0x65: {  	v2 =	vld [tilespmem:s28+$0xF0];
	_ =	sdelay $0x7  }
0x66: {  	[tilespmem:v2+s21+$0x0] =	vst.idx.add.f32.msk $0xffff, v1  }
0x67: {  	s29 =	sand.u32 $0x600, s29;
	_ =	swait.ge [sflag:s22], $0x4000  }
0x68: {  	s3 =	sadd.s32 s29, s30;
	[sflag:s22] =	ssyncset.done $0x0  }
0x69: {  	s31 =	sadd.s32 $0x180, s3;
	[sflag:s22] =	ssyncadd.s32 $0xFFFFC000  }
0x6a: {  	[spmem:s2] =	stream.indirect.scatter.add.f32 [tilespmem:s19], [sflag:$0x3], $0x80, s31, s17, $0xb8;
	[tilespmem:$0x1F800] =	vst v63  }
0x6b: {  	_ =	swait.ge [sflag:s16], $0x4000  }
0x6c: {  	[sflag:s16] =	ssyncset.done $0x0  }
0x6d: {  	s29 =	simm.s32 @!p0 $0x5000;
	s28 =	sand.u32 @!p0 $0xF00, s25;
	[sflag:s16] =	ssyncadd.s32 $0xFFFFC000  }
0x6e: {  	[tilespmem:s29], [sflag:$0x2] =	stream.indirect.gather @!p0 [hbm4b:s4+s0], $0x80, s28, s0, $0xb8;
	[tilespmem:$0x1F800] =	vst v63  }
0x6f: {  	v2 =	vld [tilespmem:s3+$0x180];
	_ =	sdelay $0x7  }
0x70: {  	[tilespmem:v2+s21+$0x0] =	vst.idx.add.f32.msk $0xffff, v1  }
0x71: {  	v2 =	vld [tilespmem:s3+$0x190];
	_ =	sdelay $0x7  }
0x72: {  	[tilespmem:v2+s21+$0x0] =	vst.idx.add.f32.msk $0xffff, v1  }
0x73: {  	v2 =	vld [tilespmem:s3+$0x1A0];
	_ =	sdelay $0x7  }
0x74: {  	[tilespmem:v2+s21+$0x0] =	vst.idx.add.f32.msk $0xffff, v1  }
0x75: {  	v2 =	vld [tilespmem:s3+$0x1B0];
	_ =	sdelay $0x7  }
0x76: {  	[tilespmem:v2+s21+$0x0] =	vst.idx.add.f32.msk $0xffff, v1  }
0x77: {  	v2 =	vld [tilespmem:s3+$0x1C0];
	_ =	sdelay $0x7  }
0x78: {  	[tilespmem:v2+s21+$0x0] =	vst.idx.add.f32.msk $0xffff, v1  }
0x79: {  	v2 =	vld [tilespmem:s3+$0x1D0];
	_ =	sdelay $0x7  }
0x7a: {  	[tilespmem:v2+s21+$0x0] =	vst.idx.add.f32.msk $0xffff, v1  }
0x7b: {  	v2 =	vld [tilespmem:s3+$0x1E0];
	_ =	sdelay $0x7  }
0x7c: {  	[tilespmem:v2+s21+$0x0] =	vst.idx.add.f32.msk $0xffff, v1  }
0x7d: {  	v2 =	vld [tilespmem:s3+$0x1F0];
	_ =	sdelay $0x1  }
0x7e: {  	s25 =	sadd.s32 $0x200, s25  }
0x7f: {  	p0 =	sne.s32 s25, $0x5300  }
.Ltmp2:
0x80: {  	_ = 	snop;
	(pc) =	sbr.rel @p0 .LBB2_6-.Ltmp2, $2  }
0x81: {  	_ =	sdelay $0x2  }
0x82: {  	s24 =	sadd.s32 $0x2, s24;
	s26 =	sadd.s32 $0x40, s26;
	[tilespmem:v2+s21+$0x0] =	vst.idx.add.f32.msk $0xffff, v1  }
0x83: {  	s0 =	simm.s32 $0x0  }
0x84: {  	[hbm4b:s11+s0] =	stream.linear.scatter [tilespmem:s21], [sflag:$0x3], $0x2800, $0x38;
	[tilespmem:$0x1F800] =	vst v63  }
0x85: {  	_ =	swait.ge [sflag:s16], $0x2800  }
0x86: {  	s31 =	sshll.u32 s1, $0x6;
	s23 =	sadd.s32 $0x1, s23;
	[sflag:s16] =	ssyncset.done $0x0  }
0x87: {  	s3 =	sshrl.u32 s5, $0x3;
	p0 =	sne.s32 s23, s13;
	[sflag:s16] =	ssyncadd.s32 $0xFFFFD800  }
.Ltmp3:
0x88: {  	s0 =	sor.u32 $0x1C03, s31;
	[bflag:$0x0] =	sbarrier.arrive $0xFFFF;
	(pc) =	sbr.rel @p0 .LBB2_1-.Ltmp3, $4  }
0x89: {  	[hbm:s12], [sflag:s0] =	dma.local [spmem:s3], $0x2800  }
0x8a: {  	_ =	swait.ge [sflag:s16], $0x2800  }
0x8b: {  	[sflag:s16] =	ssyncset.done $0x0  }
0x8c: {  	[sflag:s16] =	ssyncadd.s32 $0xFFFFD800  }
0x8d: {  	_ =	sfence.sel $0x180000  }
0x8e: {  	[bflag:$0x0] =	sbarrier.arrive $0xFFFF  }
0x8f: {  	_ =	strace $0x90000047  }
0x90: {  	[bflag:$0x2] =	sbarrier.arrive $0xFFFF  }
0x91: {  	p0 =	sne.s32 s1, $0x0;
	s0 =	rddreg [dreg:$0x2]  }
0x92: {  	s0 =	sadd.s32 @!p0 $0x100000, s0  }
0x93: {  	[sflag:s0] =	ssyncadd.tile.s32 @!p0 $0x1;
	_ =	shalt  }
.Lfunc_end2:
_tile_overlayer_lowered:
.L_overlay_start_2:
0x94: {  	(tag) =	ssettag $0x2  }
0x95: {  	s0 =	rddreg [dreg:$0x0];
	s2 =	stileid.u32  }
0x96: {  	s1 =	rddreg [dreg:$0x1];
	p0 =	sne.s32 s2, $0x0  }
0x97: {  	s3 =	rddreg [dreg:$0x2];
	[bflag:$0x3] =	sbarrier.arrive $0xFFFF;
	s2 =	simm.s32 @!p0 $0x1C03  }
0x98: {  	[timem:s3], [sflag:s2] =	dma.local @!p0 [hbm:s0], s1  }
0x99: {  	s0 =	simm.s32 @!p0 $0x3  }
0x9a: {  	_ =	swait.ge @!p0 [sflag:s0], s1  }
0x9b: {  	s1 =	ssub.s32 @!p0 $0x0, s1;
	[sflag:s0] =	ssyncset.done @!p0 $0x0  }
0x9c: {  	[sflag:s0] =	ssyncadd.s32 @!p0 s1  }
0x9d: {  	[bflag:$0x3] =	sbarrier.arrive $0xFFFF  }
0x9e: {  	_ =	shalt  }

// kernel: kernel.9.cloned.1.call-start
scs
__scs_entry_jumppad:
0x0: {  	(pc) =	sbr.rel $0x88, $3  }
0x1: {  	(tag) =	ssettag $0x0;
	lr =	simm.s32 $0x1  }
0x2: {  	[smem:$0x3F9C] =	sst lr;
	_ =	strace $0xD0000000  }
0x3: {  	_ = 	snop  }
0x4: {  	_ = 	snop  }
0x5: {  	_ = 	snop  }
0x6: {  	_ = 	snop  }
0x7: {  	_ = 	snop  }
__scs_overlays_trampoline_lowered:
0x8: {  	[smem:$0x3FAB] =	sst s0  }
0x9: {  	[smem:$0x3FAC] =	sst s1  }
0xa: {  	[smem:$0x3FAD] =	sst s2  }
0xb: {  	[smem:$0x3FAE] =	sst s3  }
0xc: {  	[smem:$0x3FAF] =	sst s4  }
0xd: {  	[smem:$0x3FB0] =	sst s5  }
0xe: {  	[smem:$0x3FB1] =	sst s6  }
0xf: {  	[smem:$0x3FB2] =	sst s7  }
0x10: {  	[smem:$0x3FB3] =	sst s8  }
0x11: {  	[smem:$0x3FB4] =	sst s9;
	s0 =	simm.s32 @!p0 $0x0  }
0x12: {  	s1 =	sld [smem:$0x3F9A];
	s0 =	simm.s32 @p0 $0x1  }
0x13: {  	[smem:$0x3FB5] =	sst s0;
	s0 =	simm.s32 @!p1 $0x0  }
0x14: {  	s2 =	sld [smem:$0x3F99];
	s0 =	simm.s32 @p1 $0x1  }
0x15: {  	[smem:$0x3FB6] =	sst s0;
	s0 =	simm.s32 @!p2 $0x0  }
0x16: {  	s3 =	sld [smem:$0x3FDB];
	s0 =	simm.s32 @p2 $0x1  }
0x17: {  	s4 =	simm.s32 $0x1BF5;
	[smem:$0x3FB8] =	sst s0  }
0x18: {  	s0 =	sld [smem:$0x3F9B];
	_ =	swait.ge [sflag:s4], $0x0  }
0x19: {  	s7 =	sld [smem:$0x3F9C]  }
0x1a: {  	s8 =	sadd.s32 $0xFFFFE003, lr  }
0x1b: {  	s9 =	sadd.s32 $0xFFFFFEF7, lr;
	s5 =	simm.s32 $0xFFFFFFFF;
	p2 =	slt.u32 s8, $0xFFFFF086  }
0x1c: {  	p1 =	slt.u32 s9, $0xF7A;
	s5 =	simm.s32 @!p2 $0x0  }
0x1d: {  	s5 =	simm.s32 @p1 $0x1;
	p0 =	seq.s32 s7, s2  }
0x1e: {  	s7 =	smul.u32 @!p0 $0xF7A, s2;
	p2 =	seq.s32 @!p0 s5, $0x0  }
0x1f: {  	s9 =	smul.u32 $0xF7A, s1;
	s8 =	simm.s32 @!p0 $0x1BF5;
	p2 =	por !p2, p0  }
0x20: {  	[sflag:s8] =	ssyncset.s32 @!p0 $0xFFFFF086;
	s6 =	sadd.s32 @!p0 s3, s7;
	s7 =	simm.s32 @!p0 $0x108  }
0x21: {  	s3 =	sadd.s32 s3, s9;
	s6 =	sadd.s32 @!p0 $0x88, s6;
	s7 =	simm.s32 @p2 $0x1082  }
0x22: {  	[simem:s7], [sflag:s8] =	dma.local @!p0 [hbm:s6], $0xF7A  }
0x23: {  	s9 =	sor.u32 $0xD0000000, s2;
	s6 =	simm.s32 $0x108;
	_ =	swait.ge @!p0 [sflag:s8], $0x0  }
0x24: {  	s3 =	sadd.s32 $0x88, s3;
	s6 =	simm.s32 @!p1 $0x1082;
	[sflag:s4] =	ssyncset.s32 $0xFFFFF086  }
0x25: {  	[simem:s6], [sflag:s4] =	dma.local [hbm:s3], $0xF7A  }
0x26: {  	[smem:$0x3F9C] =	sst s1;
	(tag) =	ssettag s2;
	_ =	strace s9  }
0x27: {  	s1 =	sld [smem:$0x3FAC]  }
0x28: {  	s2 =	sld [smem:$0x3FAD]  }
0x29: {  	s4 =	sld [smem:$0x3FAF]  }
0x2a: {  	p0 =	seq.s32 s5, $0x0;
	s5 =	sld [smem:$0x3FB0]  }
0x2b: {  	s6 =	sld [smem:$0x3FB1]  }
0x2c: {  	s7 =	sld [smem:$0x3FB2]  }
0x2d: {  	s3 =	simm.s32 $0x108;
	s8 =	sld [smem:$0x3FB3]  }
0x2e: {  	s3 =	simm.s32 @!p0 $0x1082;
	s9 =	sld [smem:$0x3FB4]  }
0x2f: {  	lr =	sadd.s32 s0, s3;
	s0 =	sld [smem:$0x3FAB]  }
0x30: {  	s3 =	sld [smem:$0x3FAE]  }
0x31: {  	[smem:$0x3FB7] =	sst s10  }
0x32: {  	s10 =	sld [smem:$0x3FB5];
	_ =	sdelay $0x3  }
0x33: {  	p0 =	seq.s32 s10, $0x1;
	s10 =	sld [smem:$0x3FB7];
	_ =	sdelay $0x3  }
0x34: {  	[smem:$0x3FB7] =	sst s10  }
0x35: {  	s10 =	sld [smem:$0x3FB6];
	_ =	sdelay $0x3  }
0x36: {  	p1 =	seq.s32 s10, $0x1;
	s10 =	sld [smem:$0x3FB7];
	_ =	sdelay $0x3  }
0x37: {  	[smem:$0x3FB7] =	sst s10  }
0x38: {  	s10 =	sld [smem:$0x3FB8]  }
0x39: {  	_ = 	snop;
	(pc) =	sbr.ind lr, $3  }
0x3a: {  	_ = 	snop  }
0x3b: {  	_ = 	snop  }
0x3c: {  	p2 =	seq.s32 s10, $0x1;
	s10 =	sld [smem:$0x3FB7]  }
0x3d: {  	_ =	shalt  }
0x3e: {  	_ =	shalt  }
0x3f: {  	_ =	shalt  }
0x40: {  	_ =	shalt  }
0x41: {  	_ =	shalt  }
0x42: {  	_ =	shalt  }
0x43: {  	_ =	shalt  }
0x44: {  	_ =	shalt  }
0x45: {  	_ =	shalt  }
0x46: {  	_ =	shalt  }
0x47: {  	_ =	shalt  }
0x48: {  	_ =	shalt  }
0x49: {  	_ =	shalt  }
0x4a: {  	_ =	shalt  }
0x4b: {  	_ =	shalt  }
0x4c: {  	_ =	shalt  }
0x4d: {  	_ =	shalt  }
0x4e: {  	_ =	shalt  }
0x4f: {  	_ =	shalt  }
0x50: {  	_ =	shalt  }
0x51: {  	_ =	shalt  }
0x52: {  	_ =	shalt  }
0x53: {  	_ =	shalt  }
0x54: {  	_ =	shalt  }
0x55: {  	_ =	shalt  }
0x56: {  	_ =	shalt  }
0x57: {  	_ =	shalt  }
0x58: {  	_ =	shalt  }
0x59: {  	_ =	shalt  }
0x5a: {  	_ =	shalt  }
0x5b: {  	_ =	shalt  }
0x5c: {  	_ =	shalt  }
0x5d: {  	_ =	shalt  }
0x5e: {  	_ =	shalt  }
0x5f: {  	_ =	shalt  }
0x60: {  	_ =	shalt  }
0x61: {  	_ =	shalt  }
0x62: {  	_ =	shalt  }
0x63: {  	_ =	shalt  }
0x64: {  	_ =	shalt  }
0x65: {  	_ =	shalt  }
0x66: {  	_ =	shalt  }
0x67: {  	_ =	shalt  }
0x68: {  	_ =	shalt  }
0x69: {  	_ =	shalt  }
0x6a: {  	_ =	shalt  }
0x6b: {  	_ =	shalt  }
0x6c: {  	_ =	shalt  }
0x6d: {  	_ =	shalt  }
0x6e: {  	_ =	shalt  }
0x6f: {  	_ =	shalt  }
0x70: {  	_ =	shalt  }
0x71: {  	_ =	shalt  }
0x72: {  	_ =	shalt  }
0x73: {  	_ =	shalt  }
0x74: {  	_ =	shalt  }
0x75: {  	_ =	shalt  }
0x76: {  	_ =	shalt  }
0x77: {  	_ =	shalt  }
0x78: {  	_ =	shalt  }
0x79: {  	_ =	shalt  }
0x7a: {  	_ =	shalt  }
0x7b: {  	_ =	shalt  }
0x7c: {  	_ =	shalt  }
0x7d: {  	_ =	shalt  }
0x7e: {  	_ =	shalt  }
0x7f: {  	_ =	shalt  }
0x80: {  	_ =	shalt  }
0x81: {  	_ =	shalt  }
0x82: {  	_ =	shalt  }
0x83: {  	_ =	shalt  }
0x84: {  	_ =	shalt  }
0x85: {  	_ =	shalt  }
0x86: {  	_ =	shalt  }
0x87: {  	_ =	shalt  }
.Lfunc_end0:
.L_simem_size_0:
called_computation.1_lowered:
.L_overlay_start_0:
0x88: {  	s2 =	sld [smem:$0x3FD9]  }
0x89: {  	s3 =	sld [smem:$0x3FFE];
	_ =	sdelay $0x1  }
0x8a: {  	s1 =	srdreg.scid  }
0x8b: {  	s0 =	sand.u32 $0x1, s1  }
0x8c: {  	s17 =	sshll.u32 s0, $0xA;
	s2 =	sadd.s32 s3, s2  }
0x8d: {  	s2 =	sadd.s32 s2, s17  }
0x8e: {  	[smem:$0x3FC3] =	sst s2  }
0x8f: {  	_ = 	snop  }
0x90: {  	s2 =	sld [smem:$0x3FD0];
	(tm) =	ssettm $0x1  }
0x91: {  	s18 =	sld [smem:$0x3FFB];
	_ =	sdelay $0x3  }
0x92: {  	_ =	strace s18  }
0x93: {  	s3 =	sld [smem:$0x3FFC];
	_ =	sdelay $0x3  }
0x94: {  	_ =	strace s3  }
0x95: {  	s3 =	sld [smem:$0x3FFD];
	_ =	sdelay $0x3  }
0x96: {  	_ =	strace s3  }
0x97: {  	_ =	strace $0x8FFFFFFF  }
0x98: {  	s19 =	sld [smem:$0x3FDB];
	_ =	sdelay $0x1  }
0x99: {  	s4 =	simm.s32 $_scs_section_size  }
0x9a: {  	s5 =	simm.s32 $_size__tile_overlayer_lowered;
	s6 =	simm.s32 $_tile_overlayer_lowered  }
0x9b: {  	s22 =	simm.s32 $0x1BFF;
	s21 =	sshll.u32 s6, $0x1;
	s3 =	sadd.s32 s4, s19  }
0x9c: {  	s7 =	simm.s32 $0x0;
	s20 =	sshll.u32 s5, $0x1;
	s5 =	sadd.s32 s21, s3  }
0x9d: {  	[timem:s7], [sflag:s22] =	dma.local [hbm:s5], s20  }
0x9e: {  	_ =	swait.ge [sflag:s22], s20  }
0x9f: {  	s4 =	ssub.s32 $0x0, s20;
	[sflag:s22] =	ssyncset.done $0x0  }
0xa0: {  	[sflag:s22] =	ssyncadd.s32 s4;
	_ =	sdelay $0x1  }
0xa1: {  	s23 =	simm.s32 $0x1B8B  }
0xa2: {  	_ =	swait.ge [sflag:s23], $0x1  }
0xa3: {  	[sflag:s23] =	ssyncset.done $0x0  }
0xa4: {  	s25 =	simm.s32 $0x1B8E;
	s24 =	sld [smem:$0x3FFE];
	[sflag:s23] =	ssyncadd.s32 $0xFFFFFFFF  }
0xa5: {  	s26 =	simm.s32 $execute0_lowered;
	[smem:$0x3FD2] =	sst s25  }
0xa6: {  	s5 =	sshll.u32 s26, $0x1;
	_ =	strace $0x80000049;
	[dreg:$0x1] =	wrdreg $0xFFFFFFFF  }
0xa7: {  	s28 =	simm.s32 $_size_execute0_lowered;
	s3 =	sadd.s32 s3, s5;
	[dreg:$0x0] =	wrdreg $0x0  }
0xa8: {  	s5 =	sshll.u32 s28, $0x1;
	[dreg:$0x2] =	wrdreg s3  }
0xa9: {  	[dreg:$0x3] =	wrdreg s5  }
0xaa: {  	[dreg:$0x4] =	wrdreg $0xC0  }
0xab: {  	_ =	task [dreg:s7], $0x5FFFF  }
0xac: {  	[dreg:$0x1] =	wrdreg $0xFFFFFFFF  }
0xad: {  	[dreg:$0x0] =	wrdreg $0x60  }
0xae: {  	[dreg:$0x2] =	wrdreg s24  }
0xaf: {  	[dreg:$0x3] =	wrdreg s2  }
0xb0: {  	[dreg:$0x4] =	wrdreg $0x90000  }
0xb1: {  	[dreg:$0x5] =	wrdreg $0x9  }
0xb2: {  	_ =	task.clear_ibuf [dreg:s7], $0x6FFFF;
	_ =	strace $0x90000049  }
0xb3: {  	s29 =	simm.s32 $0x9;
	_ =	strace $0x8000004B  }
0xb4: {  	_ =	swait.ge [sflag:s29], $0x1  }
0xb5: {  	[sflag:s29] =	ssyncadd.s32 $0xFFFFFFFF  }
0xb6: {  	_ =	strace $0x9000004B  }
0xb7: {  	_ =	sfence  }
0xb8: {  	s30 =	sld [smem:$0x0];
	_ =	sdelay $0x2  }
0xb9: {  	s31 =	sshll.u32 s1, $0xD;
	s1 =	sshrl.u32 s1, $0x2  }
0xba: {  	s3 =	sand.u32 $0x4000, s31;
	s1 =	sadd.s32 s1, s30  }
0xbb: {  	s0 =	sor.u32 s3, s0;
	s1 =	sshll.u32 s1, $0x11  }
0xbc: {  	s0 =	sor.u32 s1, s0  }
0xbd: {  	s0 =	sadd.s32 $0x8F2B, s0  }
0xbe: {  	[sflag:s0] =	ssyncadd.remote.s32 $0x1  }
0xbf: {  	_ =	sfence.sel $0xFFFF  }
0xc0: {  	[dreg:$0x0] =	wrdreg $0xFFFFFFFF;
	(pc) =	sbr.abs _section_cstart, $3  }
0xc1: {  	[dreg:$0x1] =	wrdreg $0xFFFFFFFF  }
0xc2: {  	_ =	task.clear_ibuf [dreg:s7], $0x2FFFF;
	_ =	strace $0x9FFFFFFF  }
0xc3: {  	(tm) =	ssettm $0x7FFFFFFF  }
tec
execute0_lowered:
.L_overlay_start_1:
0x0: {  	(tag) =	ssettag $0x1  }
0x1: {  	s5 =	rddreg [dreg:$0x0];
	s0 =	srdreg.scid  }
0x2: {  	s13 =	rddreg [dreg:$0x1];
	s24 =	stileid.u32  }
0x3: {  	s2 =	rddreg [dreg:$0x2];
	s3 =	simm.s32 $0x0;
	s15 =	simm.s32 $0x3  }
0x4: {  	s16 =	simm.s32 $0x80;
	s18 =	simm.s32 $0x5000;
	s7 =	smul.u32 $0x14000, s24  }
0x5: {  	s19 =	simm.s32 $0x1;
	s20 =	simm.s32 $0x2;
	s26 =	smul.u32 $0x50000, s24  }
0x6: {  	s21 =	simm.s32 $0xE80;
	s6 =	sand.u32 $0x1, s0;
	s29 =	smul.u32 $0x5000, s24  }
0x7: {  	s22 =	simm.s32 $0xF80;
	[smem:$0x7FF] =	sst s3;
	s4 =	smul.u32 $0x140000, s6  }
0x8: {  	_ =	strace $0x8000004A;
	s25 =	ssub.s32 $0x2, s6;
	s9 =	sshll.u32 s6, $0x4  }
0x9: {  	s10 =	smul.u32 $0x50000, s6;
	s8 =	sshrl.u32 s25, $0x1;
	s28 =	sor.u32 s24, s9  }
0xa: {  	s7 =	sadd.s32 s7, s4;
	s4 =	sadd.s32 $0x3EA00, s5;
	s12 =	ssub.s32 s25, s8  }
0xb: {  	s14 =	smul.u32 $0x5000, s28;
	s9 =	sadd.s32 s29, s10;
	s7 =	sshrl.u32 s7, $0x3  }
0xc: {  	s31 =	sor.u32 $0x200, s9;
	s12 =	smax.u32 s12, $0x1;
	s11 =	sadd.s32 s7, s5  }
0xd: {  	s7 =	sshrl.u32 s26, $0x2;
	s30 =	sshrl.u32 s14, $0x3;
	s14 =	sshrl.u32 s31, $0x3  }
0xe: {  	s5 =	sadd.s32 s7, s2;
	s10 =	sadd.s32 s13, s30;
	s11 =	sadd.s32 $0x66A00, s11  }
0xf: {  	s13 =	sadd.s32 s14, s13;
	s14 =	simm.s32 $0x1000;
	s6 =	sadd.s32 $0x4000, s5  }
0x10: {  	v0 =	vimm.f32 $0.0e+00;
	s7 =	sadd.s32 $0x8000, s5;
	s8 =	sadd.s32 $0xC000, s5;
	s9 =	sadd.s32 $0x10000, s5  }
.LBB2_1:
0x11: {  	s23 =	simm.s32 $0x0;
	s24 =	simm.s32 $0x200  }
.LBB2_2:
0x12: {  	p0 =	sne.s32 s24, $0xFE00;
	[tilespmem:s23+$0x1070] =	vst v0  }
0x13: {  	[tilespmem:s23+$0x1000] =	vst v0  }
0x14: {  	[tilespmem:s23+$0x1010] =	vst v0  }
.Ltmp0:
0x15: {  	[tilespmem:s23+$0x1020] =	vst v0;
	(pc) =	sbr.rel @p0 .LBB2_2-.Ltmp0, $4  }
0x16: {  	[tilespmem:s23+$0x1030] =	vst v0  }
0x17: {  	[tilespmem:s23+$0x1040] =	vst v0  }
0x18: {  	[tilespmem:s23+$0x1050] =	vst v0  }
0x19: {  	[tilespmem:s23+$0x1060] =	vst v0;
	s23 =	sshra.s32 s24, $0x2;
	s24 =	sadd.s32 $0x200, s24  }
0x1a: {  	[tilespmem:s23+$0x1070] =	vst v0  }
0x1b: {  	[tilespmem:s23+$0x1000] =	vst v0  }
0x1c: {  	[tilespmem:s23+$0x1010] =	vst v0  }
0x1d: {  	[tilespmem:s23+$0x1020] =	vst v0  }
0x1e: {  	[tilespmem:s23+$0x1030] =	vst v0  }
0x1f: {  	[tilespmem:s23+$0x1040] =	vst v0  }
0x20: {  	[tilespmem:s23+$0x1050] =	vst v0  }
0x21: {  	[tilespmem:s23+$0x1060] =	vst v0  }
0x22: {  	[spmem:s5] =	stream.linear.scatter [tilespmem:s14], [sflag:$0x3], $0x4000, $0x38;
	[tilespmem:$0x1D000] =	vst v63  }
0x23: {  	_ =	swait.ge [sflag:s15], $0x4000  }
0x24: {  	[sflag:s15] =	ssyncset.done $0x0  }
0x25: {  	[sflag:s15] =	ssyncadd.s32 $0xFFFFC000  }
0x26: {  	[spmem:s6] =	stream.linear.scatter [tilespmem:s14], [sflag:$0x3], $0x4000, $0x38;
	[tilespmem:$0x1D000] =	vst v63  }
0x27: {  	_ =	swait.ge [sflag:s15], $0x4000  }
0x28: {  	[sflag:s15] =	ssyncset.done $0x0  }
0x29: {  	[sflag:s15] =	ssyncadd.s32 $0xFFFFC000  }
0x2a: {  	[spmem:s7] =	stream.linear.scatter [tilespmem:s14], [sflag:$0x3], $0x4000, $0x38;
	[tilespmem:$0x1D000] =	vst v63  }
0x2b: {  	_ =	swait.ge [sflag:s15], $0x4000  }
0x2c: {  	[sflag:s15] =	ssyncset.done $0x0  }
0x2d: {  	[sflag:s15] =	ssyncadd.s32 $0xFFFFC000  }
0x2e: {  	[spmem:s8] =	stream.linear.scatter [tilespmem:s14], [sflag:$0x3], $0x4000, $0x38;
	[tilespmem:$0x1D000] =	vst v63  }
0x2f: {  	_ =	swait.ge [sflag:s15], $0x4000  }
0x30: {  	[sflag:s15] =	ssyncset.done $0x0  }
0x31: {  	[sflag:s15] =	ssyncadd.s32 $0xFFFFC000  }
0x32: {  	[spmem:s9] =	stream.linear.scatter [tilespmem:s14], [sflag:$0x3], $0x4000, $0x38;
	[tilespmem:$0x1D000] =	vst v63  }
0x33: {  	_ =	swait.ge [sflag:s15], $0x4000  }
0x34: {  	[sflag:s15] =	ssyncset.done $0x0  }
0x35: {  	s24 =	simm.s32 $0x0;
	[sflag:s15] =	ssyncadd.s32 $0xFFFFC000  }
0x36: {  	[tilespmem:s24], [sflag:$0x3] =	stream.linear.gather [hbm4b:s10+s24], $0x800, $0x38;
	[tilespmem:$0x1D000] =	vst v63  }
0x37: {  	_ =	swait.ge [sflag:s15], $0x800  }
0x38: {  	[sflag:s15] =	ssyncset.done $0x0  }
0x39: {  	s17 =	sand.u32 $0x6, s24;
	[sflag:s15] =	ssyncadd.s32 $0xFFFFF800  }
0x3a: {  	p0 =	sne.s32 s17, $0x6;
	[bflag:$0x0] =	sbarrier.arrive $0xFFFF  }
0x3b: {  	[tilespmem:s14], [sflag:$0x1] =	stream.indirect.gather [hbm4b:s4+s16], $0x80, s24, s16, $0xb8;
	[tilespmem:$0x1D000] =	vst v63  }
0x3c: {  	s0 =	simm.s32 $0x100;
	s25 =	simm.s32 @!p0 $0x200  }
0x3d: {  	[tilespmem:s18], [sflag:$0x2] =	stream.indirect.gather [hbm4b:s4+s16], $0x80, s0, s16, $0xb8;
	[tilespmem:$0x1D000] =	vst v63  }
0x3e: {  	s26 =	simm.s32 @!p0 $0x0;
	s28 =	simm.s32 @!p0 $0x3;
	s25 =	sand.u32 @!p0 $0x800, s25  }
0x3f: {  	[tilespmem:s25], [sflag:$0x3] =	stream.linear.gather @!p0 [hbm4b:s13+s26], $0x800, $0x38;
	[tilespmem:$0x1D000] =	vst v63  }
0x40: {  	_ =	swait.ge @!p0 [sflag:s28], $0x800  }
0x41: {  	[sflag:s28] =	ssyncset.done @!p0 $0x0  }
0x42: {  	[sflag:s28] =	ssyncadd.s32 @!p0 $0xFFFFF800  }
0x43: {  	s23 =	sshll.u32 s17, $0x8;
	s26 =	sand.u32 $0x800, s24;
	_ =	swait.ge [sflag:s19], $0x4000  }
0x44: {  	s23 =	sor.u32 s23, s26;
	[sflag:s19] =	ssyncset.done $0x0  }
0x45: {  	s23 =	sor.u32 $0x80, s23;
	[sflag:s19] =	ssyncadd.s32 $0xFFFFC000  }
0x46: {  	[spmem:s2] =	stream.indirect.scatter.add.f32 [tilespmem:s14], [sflag:$0x3], $0x80, s23, s16, $0xb8;
	[tilespmem:$0x1D000] =	vst v63  }
0x47: {  	_ =	swait.ge [sflag:s15], $0x4000  }
0x48: {  	s29 =	simm.s32 $0x2;
	s23 =	simm.s32 $0x200;
	[sflag:s15] =	ssyncset.done $0x0  }
0x49: {  	s30 =	simm.s32 $0x300;
	s31 =	sand.u32 $0xE00, s23;
	[sflag:s15] =	ssyncadd.s32 $0xFFFFC000  }
0x4a: {  	[tilespmem:s14], [sflag:$0x1] =	stream.indirect.gather [hbm4b:s4+s16], $0x80, s31, s16, $0xb8;
	[tilespmem:$0x1D000] =	vst v63  }
0x4b: {  	s29 =	sand.u32 $0x6, s29;
	s30 =	sand.u32 $0xF00, s30;
	_ =	swait.ge [sflag:s20], $0x4000  }
0x4c: {  	p1 =	sne.s32 s29, $0x6;
	s24 =	sand.u32 $0xE00, s24;
	[sflag:s20] =	ssyncset.done $0x0  }
0x4d: {  	s29 =	sshll.u32 s29, $0x8;
	s31 =	sor.u32 $0x180, s24;
	[sflag:s20] =	ssyncadd.s32 $0xFFFFC000  }
0x4e: {  	[spmem:s2] =	stream.indirect.scatter.add.f32 [tilespmem:s18], [sflag:$0x3], $0x80, s31, s16, $0xb8;
	[tilespmem:$0x1D000] =	vst v63  }
0x4f: {  	s25 =	simm.s32 $0x4;
	s28 =	simm.s32 $0x500;
	_ =	swait.ge [sflag:s15], $0x4000  }
0x50: {  	s26 =	sand.u32 $0xE00, s23;
	s24 =	sadd.s32 $0x40, s13;
	[sflag:s15] =	ssyncset.done $0x0  }
.LBB2_4:
0x51: {  	s31 =	sadd.s32 @!p1 $0x200, s23;
	[sflag:s15] =	ssyncadd.s32 $0xFFFFC000;
	s1 =	smov.u32 s25  }
0x52: {  	s25 =	sadd.s32 $0x2, s25;
	s0 =	smov.u32 s26;
	s17 =	smov.u32 s28  }
0x53: {  	[tilespmem:s18], [sflag:$0x2] =	stream.indirect.gather [hbm4b:s4+s16], $0x80, s30, s16, $0xb8;
	[tilespmem:$0x1D000] =	vst v63  }
0x54: {  	s28 =	simm.s32 @!p1 $0x0;
	s26 =	sand.u32 @!p1 $0x800, s31;
	s30 =	simm.s32 @!p1 $0x3  }
0x55: {  	[tilespmem:s26], [sflag:$0x3] =	stream.linear.gather @!p1 [hbm4b:s24+s28], $0x800, $0x38;
	[tilespmem:$0x1D000] =	vst v63  }
0x56: {  	p0 =	sne.s32 s25, $0x4E;
	_ =	swait.ge @!p1 [sflag:s30], $0x800  }
0x57: {  	[sflag:s30] =	ssyncset.done @!p1 $0x0  }
0x58: {  	[sflag:s30] =	ssyncadd.s32 @!p1 $0xFFFFF800  }
0x59: {  	s26 =	sand.u32 $0x800, s23;
	_ =	swait.ge [sflag:s19], $0x4000  }
0x5a: {  	s26 =	sor.u32 s29, s26;
	[sflag:s19] =	ssyncset.done $0x0  }
0x5b: {  	s26 =	sor.u32 $0x80, s26;
	[sflag:s19] =	ssyncadd.s32 $0xFFFFC000  }
0x5c: {  	[spmem:s2] =	stream.indirect.scatter.add.f32 [tilespmem:s14], [sflag:$0x3], $0x80, s26, s16, $0xb8;
	[tilespmem:$0x1D000] =	vst v63  }
0x5d: {  	_ =	swait.ge [sflag:s15], $0x4000  }
0x5e: {  	s23 =	sadd.s32 $0x200, s23;
	[sflag:s15] =	ssyncset.done $0x0  }
0x5f: {  	s26 =	sand.u32 $0xE00, s23;
	[sflag:s15] =	ssyncadd.s32 $0xFFFFC000  }
0x60: {  	[tilespmem:s14], [sflag:$0x1] =	stream.indirect.gather [hbm4b:s4+s16], $0x80, s26, s16, $0xb8;
	[tilespmem:$0x1D000] =	vst v63  }
0x61: {  	s28 =	sadd.s32 $0x300, s23;
	_ =	swait.ge [sflag:s20], $0x4000  }
.Ltmp1:
0x62: {  	[sflag:s20] =	ssyncset.done $0x0;
	(pc) =	sbr.rel @p0 .LBB2_4-.Ltmp1, $4  }
0x63: {  	s0 =	sor.u32 $0x180, s0;
	s24 =	sadd.s32 $0x40, s24;
	[sflag:s20] =	ssyncadd.s32 $0xFFFFC000  }
0x64: {  	[spmem:s2] =	stream.indirect.scatter.add.f32 [tilespmem:s18], [sflag:$0x3], $0x80, s0, s16, $0xb8;
	[tilespmem:$0x1D000] =	vst v63  }
0x65: {  	s30 =	sand.u32 $0xF00, s17;
	s0 =	sand.u32 $0x6, s1;
	_ =	swait.ge [sflag:s15], $0x4000  }
0x66: {  	p1 =	sne.s32 s0, $0x6;
	s29 =	sshll.u32 s0, $0x8;
	[sflag:s15] =	ssyncset.done $0x0  }
0x67: {  	s0 =	sadd.s32 @!p1 $0x200, s23;
	[sflag:s15] =	ssyncadd.s32 $0xFFFFC000  }
0x68: {  	[tilespmem:s18], [sflag:$0x2] =	stream.indirect.gather [hbm4b:s4+s16], $0x80, s30, s16, $0xb8;
	[tilespmem:$0x1D000] =	vst v63  }
0x69: {  	s1 =	simm.s32 @!p1 $0x0;
	s17 =	simm.s32 @!p1 $0x3;
	s0 =	sand.u32 @!p1 $0x800, s0  }
0x6a: {  	[tilespmem:s0], [sflag:$0x3] =	stream.linear.gather @!p1 [hbm4b:s24+s1], $0x800, $0x38;
	[tilespmem:$0x1D000] =	vst v63  }
0x6b: {  	_ =	swait.ge @!p1 [sflag:s17], $0x800  }
0x6c: {  	[sflag:s17] =	ssyncset.done @!p1 $0x0  }
0x6d: {  	[sflag:s17] =	ssyncadd.s32 @!p1 $0xFFFFF800  }
0x6e: {  	s24 =	sand.u32 $0x800, s23;
	_ =	swait.ge [sflag:s19], $0x4000  }
0x6f: {  	s0 =	sor.u32 s29, s24;
	[sflag:s19] =	ssyncset.done $0x0  }
0x70: {  	s0 =	sor.u32 $0x80, s0;
	[sflag:s19] =	ssyncadd.s32 $0xFFFFC000  }
0x71: {  	[spmem:s2] =	stream.indirect.scatter.add.f32 [tilespmem:s14], [sflag:$0x3], $0x80, s0, s16, $0xb8;
	[tilespmem:$0x1D000] =	vst v63  }
0x72: {  	_ =	swait.ge [sflag:s15], $0x4000  }
0x73: {  	s25 =	sadd.s32 $0x200, s23;
	[sflag:s15] =	ssyncset.done $0x0  }
0x74: {  	s0 =	sand.u32 $0xE00, s25;
	[sflag:s15] =	ssyncadd.s32 $0xFFFFC000  }
0x75: {  	[tilespmem:s14], [sflag:$0x1] =	stream.indirect.gather [hbm4b:s4+s16], $0x80, s0, s16, $0xb8;
	[tilespmem:$0x1D000] =	vst v63  }
0x76: {  	_ =	swait.ge [sflag:s20], $0x4000  }
0x77: {  	[sflag:s20] =	ssyncset.done $0x0  }
0x78: {  	s26 =	sor.u32 $0x180, s26;
	[sflag:s20] =	ssyncadd.s32 $0xFFFFC000  }
0x79: {  	[spmem:s2] =	stream.indirect.scatter.add.f32 [tilespmem:s18], [sflag:$0x3], $0x80, s26, s16, $0xb8;
	[tilespmem:$0x1D000] =	vst v63  }
0x7a: {  	_ =	swait.ge [sflag:s15], $0x4000  }
0x7b: {  	[sflag:s15] =	ssyncset.done $0x0  }
0x7c: {  	s29 =	sand.u32 $0xF00, s28;
	[sflag:s15] =	ssyncadd.s32 $0xFFFFC000  }
0x7d: {  	[tilespmem:s18], [sflag:$0x2] =	stream.indirect.gather [hbm4b:s4+s16], $0x80, s29, s16, $0xb8;
	[tilespmem:$0x1D000] =	vst v63  }
0x7e: {  	_ =	swait.ge [sflag:s19], $0x4000  }
0x7f: {  	[sflag:s19] =	ssyncset.done $0x0  }
0x80: {  	[sflag:s19] =	ssyncadd.s32 $0xFFFFC000  }
0x81: {  	[spmem:s2] =	stream.indirect.scatter.add.f32 [tilespmem:s14], [sflag:$0x3], $0x80, s21, s16, $0xb8;
	[tilespmem:$0x1D000] =	vst v63  }
0x82: {  	_ =	swait.ge [sflag:s15], $0x4000  }
0x83: {  	[sflag:s15] =	ssyncset.done $0x0  }
0x84: {  	[sflag:s15] =	ssyncadd.s32 $0xFFFFC000  }
0x85: {  	_ =	swait.ge [sflag:s20], $0x4000  }
0x86: {  	[sflag:s20] =	ssyncset.done $0x0  }
0x87: {  	[sflag:s20] =	ssyncadd.s32 $0xFFFFC000  }
0x88: {  	[spmem:s2] =	stream.indirect.scatter.add.f32 [tilespmem:s18], [sflag:$0x3], $0x80, s22, s16, $0xb8;
	[tilespmem:$0x1D000] =	vst v63  }
0x89: {  	s31 =	sshrl.u32 s5, $0x3;
	_ =	swait.ge [sflag:s15], $0x4000  }
0x8a: {  	s3 =	sadd.s32 $0x1, s3;
	s30 =	stileid.u32;
	[sflag:s15] =	ssyncset.done $0x0  }
0x8b: {  	p0 =	sne.s32 s3, s12;
	s0 =	sshll.u32 s30, $0x6;
	[sflag:s15] =	ssyncadd.s32 $0xFFFFC000  }
.Ltmp2:
0x8c: {  	s0 =	sor.u32 $0x1C03, s0;
	[bflag:$0x0] =	sbarrier.arrive $0xFFFF;
	(pc) =	sbr.rel @p0 .LBB2_1-.Ltmp2, $4  }
0x8d: {  	[hbm:s11], [sflag:s0] =	dma.local [spmem:s31], $0x2800  }
0x8e: {  	_ =	swait.ge [sflag:s15], $0x2800  }
0x8f: {  	[sflag:s15] =	ssyncset.done $0x0  }
0x90: {  	[sflag:s15] =	ssyncadd.s32 $0xFFFFD800  }
0x91: {  	_ =	sfence.sel $0x180000  }
0x92: {  	[bflag:$0x0] =	sbarrier.arrive $0xFFFF  }
0x93: {  	_ =	strace $0x9000004A  }
0x94: {  	s0 =	stileid.u32;
	[bflag:$0x2] =	sbarrier.arrive $0xFFFF  }
0x95: {  	p0 =	sne.s32 s0, $0x0;
	s0 =	rddreg [dreg:$0x3]  }
0x96: {  	s0 =	sadd.s32 @!p0 $0x100000, s0  }
0x97: {  	[sflag:s0] =	ssyncadd.tile.s32 @!p0 $0x1;
	_ =	shalt  }
.Lfunc_end2:
_tile_overlayer_lowered:
.L_overlay_start_2:
0x98: {  	(tag) =	ssettag $0x2  }
0x99: {  	s0 =	rddreg [dreg:$0x0];
	s2 =	stileid.u32  }
0x9a: {  	s1 =	rddreg [dreg:$0x1];
	p0 =	sne.s32 s2, $0x0  }
0x9b: {  	s3 =	rddreg [dreg:$0x2];
	[bflag:$0x3] =	sbarrier.arrive $0xFFFF;
	s2 =	simm.s32 @!p0 $0x1C03  }
0x9c: {  	[timem:s3], [sflag:s2] =	dma.local @!p0 [hbm:s0], s1  }
0x9d: {  	s0 =	simm.s32 @!p0 $0x3  }
0x9e: {  	_ =	swait.ge @!p0 [sflag:s0], s1  }
0x9f: {  	s1 =	ssub.s32 @!p0 $0x0, s1;
	[sflag:s0] =	ssyncset.done @!p0 $0x0  }
0xa0: {  	[sflag:s0] =	ssyncadd.s32 @!p0 s1  }
0xa1: {  	[bflag:$0x3] =	sbarrier.arrive $0xFFFF  }
0xa2: {  	_ =	shalt  }

</sc_bundles>
